<compile_context>
chip_gen: v7x
topology: tpu7x:2x2x1
jax: 0.10.2.dev20260603
libtpu: 0.0.44.dev20260713+nightly
codegen_flags: <defaults>
</compile_context>

<pallas_src>
import functools
import math

import jax
import jax.numpy as jnp
from jax import lax
from jax.experimental import pallas as pl
from jax.experimental.pallas import tpu as pltpu
from jax.experimental.pallas import tpu_sc as plsc

_LS = 0.1
_CONF = 1.0 - _LS
_RBLK = 2048
_A = 2048
_B = 43008
_CHR = 32

_NC = 2
_NS = 16
_L = 16
_NW = _NC * _NS


def _sc_body(b, n, xT, tgt, acc_out, tacc_out, tgt_v, buf, acc_v, tacc_v,
             sem0, sem1):
    w_per = (_B - _A) // _NW
    nchunks = w_per // _CHR
    ngroups = b // _L
    wid = lax.axis_index("s") * _NC + lax.axis_index("c")
    c_base = _A + wid * w_per

    pltpu.sync_copy(tgt, tgt_v)

    @pl.loop(0, ngroups)
    def _zero(j):
        off = j * _L
        acc_v[pl.ds(off, _L)] = jnp.zeros((_L,), jnp.float32)
        tacc_v[pl.ds(off, _L)] = jnp.zeros((_L,), jnp.float32)

    def start(k, bsel, sem):
        pltpu.make_async_copy(
            xT.at[pl.ds(c_base + k * _CHR, _CHR), :],
            buf.at[bsel], sem).start()

    def wait(bsel, sem):
        pltpu.make_async_copy(
            xT.at[pl.ds(0, _CHR), :], buf.at[bsel], sem).wait()

    def compute(bufref, c0):
        @pl.loop(0, ngroups)
        def _grp(j):
            off = j * _L
            a0 = bufref[0, pl.ds(off, _L)]
            a1 = bufref[1, pl.ds(off, _L)]
            a2 = bufref[2, pl.ds(off, _L)]
            a3 = bufref[3, pl.ds(off, _L)]
            for r in range(4, _CHR, 4):
                a0 = a0 + bufref[r, pl.ds(off, _L)]
                a1 = a1 + bufref[r + 1, pl.ds(off, _L)]
                a2 = a2 + bufref[r + 2, pl.ds(off, _L)]
                a3 = a3 + bufref[r + 3, pl.ds(off, _L)]
            acc_v[pl.ds(off, _L)] = (acc_v[pl.ds(off, _L)]
                                     + (a0 + a1) + (a2 + a3))

            t16 = tgt_v[pl.ds(off, _L)]
            rel = t16 - c0
            valid = (rel >= 0) & (rel < _CHR)
            relc = jnp.minimum(jnp.maximum(rel, 0), _CHR - 1)
            bcol = off + lax.iota(jnp.int32, _L)
            xt = plsc.load_gather(bufref, [relc, bcol])
            zero = jnp.zeros((_L,), jnp.float32)
            tacc_v[pl.ds(off, _L)] = (tacc_v[pl.ds(off, _L)]
                                      + jnp.where(valid, xt, zero))

    if nchunks > 0:
        start(0, 0, sem0)
    if nchunks > 1:
        start(1, 1, sem1)

    @pl.loop(0, nchunks, step=2)
    def pair(k):
        wait(0, sem0)
        compute(buf.at[0], c_base + k * _CHR)

        @pl.when(k + 2 < nchunks)
        def _():
            start(k + 2, 0, sem0)

        wait(1, sem1)
        compute(buf.at[1], c_base + (k + 1) * _CHR)

        @pl.when(k + 3 < nchunks)
        def _():
            start(k + 3, 1, sem1)

    pltpu.sync_copy(acc_v, acc_out.at[wid])
    pltpu.sync_copy(tacc_v, tacc_out.at[wid])


def _sc_stream(xT, tgt):
    n, b = xT.shape
    mesh = plsc.VectorSubcoreMesh(core_axis_name="c", subcore_axis_name="s",
                                  num_cores=_NC, num_subcores=_NS)
    body = functools.partial(_sc_body, b, n)
    return pl.kernel(
        body,
        out_type=(jax.ShapeDtypeStruct((_NW, b), jnp.float32),
                  jax.ShapeDtypeStruct((_NW, b), jnp.float32)),
        mesh=mesh,
        compiler_params=pltpu.CompilerParams(needs_layout_passes=False),
        scratch_types=[
            pltpu.VMEM((b,), jnp.int32),
            pltpu.VMEM((2, _CHR, b), jnp.float32),
            pltpu.VMEM((b,), jnp.float32),
            pltpu.VMEM((b,), jnp.float32),
            pltpu.SemaphoreType.DMA,
            pltpu.SemaphoreType.DMA,
        ],
    )(xT, tgt)


def _tc_body(n, t_ref, x_ref, acc_ref, tacc_ref, zacc_ref):
    j = pl.program_id(0)

    @pl.when(j == 0)
    def _init():
        acc_ref[...] = jnp.zeros_like(acc_ref)
        tacc_ref[...] = jnp.zeros_like(tacc_ref)

    x = x_ref[...]
    c0 = jnp.where(j == 0, 0, _B + (j - 1) * _RBLK)
    rid = c0 + jax.lax.broadcasted_iota(jnp.int32, x.shape, 0)
    t = t_ref[...]
    zero = jnp.zeros_like(x)
    xv = jnp.where(rid < n, x, zero)
    acc_ref[...] += jnp.sum(xv, axis=0, keepdims=True)
    tacc_ref[...] += jnp.sum(jnp.where(rid == t, x, zero), axis=0,
                             keepdims=True)

    @pl.when(j == 0)
    def _zrow():
        zacc_ref[...] = x[0:1, :]


def _tc_stream(t_row, xT):
    n, b = xT.shape
    nback = pl.cdiv(n - _B, _RBLK)
    nblocks = 1 + nback
    b_blk = _B // _RBLK
    body = functools.partial(_tc_body, n)
    return pl.pallas_call(
        body,
        grid=(nblocks,),
        in_specs=[
            pl.BlockSpec((1, b), lambda j: (0, 0)),
            pl.BlockSpec((_RBLK, b),
                         lambda j: (jnp.where(j == 0, 0, b_blk + j - 1), 0)),
        ],
        out_specs=[
            pl.BlockSpec((1, b), lambda j: (0, 0)),
            pl.BlockSpec((1, b), lambda j: (0, 0)),
            pl.BlockSpec((1, b), lambda j: (0, 0)),
        ],
        out_shape=[
            jax.ShapeDtypeStruct((1, b), jnp.float32),
            jax.ShapeDtypeStruct((1, b), jnp.float32),
            jax.ShapeDtypeStruct((1, b), jnp.float32),
        ],
    )(t_row, xT)


def _combine_body(n, t_ref, acc_tc, tacc_tc, zacc, acc_sc, tacc_sc, out_ref):
    s = _LS / (n - 2)
    k_const = _LS * math.log(s) + _CONF * math.log(_CONF)
    t = t_ref[...]
    r_total = acc_tc[...] + jnp.sum(acc_sc[...], axis=0, keepdims=True)
    xt = tacc_tc[...] + jnp.sum(tacc_sc[...], axis=0, keepdims=True)
    contrib = k_const - s * r_total + s * zacc[...] + (s - _CONF) * xt
    nonpad = t != 0
    total = jnp.sum(jnp.where(nonpad, contrib, jnp.zeros_like(contrib)))
    out_ref[...] = total.reshape(1, 1)


def kernel(output, target, extra_len):
    del extra_len
    b, n = output.shape
    xT = output.T
    tgt = target.astype(jnp.int32)
    t_row = tgt.reshape(1, b)
    acc_sc, tacc_sc = _sc_stream(xT, tgt)
    acc_tc, tacc_tc, zacc = _tc_stream(t_row, xT)
    body = functools.partial(_combine_body, n)
    res = pl.pallas_call(
        body,
        grid=(1,),
        in_specs=[
            pl.BlockSpec((1, b), lambda j: (0, 0)),
            pl.BlockSpec((1, b), lambda j: (0, 0)),
            pl.BlockSpec((1, b), lambda j: (0, 0)),
            pl.BlockSpec((1, b), lambda j: (0, 0)),
            pl.BlockSpec((_NW, b), lambda j: (0, 0)),
            pl.BlockSpec((_NW, b), lambda j: (0, 0)),
        ],
        out_specs=pl.BlockSpec((1, 1), lambda j: (0, 0)),
        out_shape=jax.ShapeDtypeStruct((1, 1), jnp.float32),
    )(t_row, acc_tc, tacc_tc, zacc, acc_sc, tacc_sc)
    return res[0, 0]

# --- scband reference (transcript-rebuilt; emitter-appended) ---
"""Pipeline reference for scband-label-smoothing-loss2-19971597926643 (READ-ONLY COPY).

The authoritative reference and input builder live on the scoring server;
editing this copy changes nothing except your own understanding.
"""

import jax, jax.numpy as jnp
import numpy as np

LABEL_SMOOTHING = 0.1
TGT_VOCAB_SIZE = 100000
PADDING_IDX = 0
CONFIDENCE = 1.0 - LABEL_SMOOTHING
BATCH = 1024
EXTRA_LEN = 16


def setup_inputs(seed: int = 0) -> dict:
    key = jax.random.key(seed)
    k1, k2 = jax.random.split(key)
    n_classes = TGT_VOCAB_SIZE + EXTRA_LEN
    output = jax.random.normal(k1, (BATCH, n_classes), dtype=jnp.float32)
    target = jax.random.randint(k2, (BATCH,), 0, n_classes, dtype=jnp.int64 if jax.config.jax_enable_x64 else jnp.int32)
    return {"output": output, "target": target, "extra_len": EXTRA_LEN}


def reference(output, target, extra_len):
    n_classes_static = output.shape[1]
    smoothing_value = LABEL_SMOOTHING / (TGT_VOCAB_SIZE + extra_len - 2)
    one_hot = jnp.full((n_classes_static,), smoothing_value, dtype=output.dtype)
    one_hot = one_hot.at[PADDING_IDX].set(0.0)
    # repeat across batch
    model_prob = jnp.tile(one_hot[None, :], (target.shape[0], 1))
    # scatter confidence at target positions (scatter-overwrite)
    rows = jnp.arange(target.shape[0])
    model_prob = model_prob.at[rows, target].set(CONFIDENCE)
    # zero out rows whose target is the padding index
    pad_mask = (target == PADDING_IDX)[:, None]
    model_prob = jnp.where(pad_mask, jnp.zeros_like(model_prob), model_prob)
    # F.kl_div(input=log-probs, target=probs, reduction='sum'):
    #   sum over all elements of target * (log(target) - input), with 0*log(0)=0
    pointwise = jax.scipy.special.xlogy(model_prob, model_prob) - model_prob * output
    return jnp.sum(pointwise)

if __name__ == "__main__":
    import jax
    _d = setup_inputs()
    print(jax.jit(kernel)(*tuple(_d.values())))

</pallas_src>

<mosaic_0001>
#map = affine_map<(d0, d1) -> (0, 0)>
#map1 = affine_map<(d0, d1) -> (0)>
module attributes {stable_mosaic.version = 14 : i64} {
  func.func @_sc_body(%arg0: i32, %arg1: i32, %arg2: memref<100016x1024xf32, #tpu.memory_space<hbm>>, %arg3: memref<1024xi32, #tpu.memory_space<hbm>>, %arg4: memref<32x1024xf32, #tpu.memory_space<hbm>>, %arg5: memref<32x1024xf32, #tpu.memory_space<hbm>>, %arg6: memref<1024xi32, #tpu.memory_space<vmem>>, %arg7: memref<2x32x1024xf32, #tpu.memory_space<vmem>>, %arg8: memref<1024xf32, #tpu.memory_space<vmem>>, %arg9: memref<1024xf32, #tpu.memory_space<vmem>>, %arg10: memref<!tpu.dma_semaphore, #tpu.memory_space<semaphore_mem>>, %arg11: memref<!tpu.dma_semaphore, #tpu.memory_space<semaphore_mem>>) attributes {dimension_semantics = [#tpu.dimension_semantics<core_parallel>, #tpu.dimension_semantics<subcore_parallel>], iteration_bounds = array<i64: 2, 16>, scalar_prefetch = 0 : i64, scratch_operands = 6 : i64, tpu.core_type = #tpu.core_type<sc_vector_subcore>, window_params = [{transform_indices = #map}, {transform_indices = #map1}, {transform_indices = #map}, {transform_indices = #map}]} {
    %mul3A = arith.constant 2 : i32
    %mul3A_0 = arith.muli %arg1, %mul3A : i32
    %add3A = arith.addi %mul3A_0, %arg0 : i32
    %mul3A_1 = arith.constant 1280 : i32
    %mul3A_2 = arith.muli %add3A, %mul3A_1 : i32
    %add3A_3 = arith.constant 2048 : i32
    %add3A_4 = arith.addi %add3A_3, %mul3A_2 : i32
    "tpu.region"() ({
      %run_scoped3A = tpu.sem_alloc : memref<!tpu.dma_semaphore, #tpu.memory_space<semaphore_mem>>
      tpu.enqueue_dma source(%arg3 : memref<1024xi32, #tpu.memory_space<hbm>>) target(%arg6 : memref<1024xi32, #tpu.memory_space<vmem>>) target_semaphore(%run_scoped3A : memref<!tpu.dma_semaphore, #tpu.memory_space<semaphore_mem>>)
      tpu.wait_dma2 semaphore(%run_scoped3A : memref<!tpu.dma_semaphore, #tpu.memory_space<semaphore_mem>>) src(%arg3 : memref<1024xi32, #tpu.memory_space<hbm>>) dst(%arg6 : memref<1024xi32, #tpu.memory_space<vmem>>)
      tpu.yield
    }) : () -> ()
    %scan3A = arith.constant 0 : i32
    %scan3A_5 = arith.constant 64 : i32
    %scan3A_6 = arith.addi %scan3A, %scan3A_5 : i32
    %scan3A_7 = arith.constant 1 : i32
    scf.for %scan3A_43 = %scan3A to %scan3A_6 step %scan3A_7  : i32 {
      %mul3A_44 = arith.constant 1 : i32
      %mul3A_45 = arith.muli %scan3A_43, %mul3A_44 : i32
      %add3A_46 = arith.constant 0 : i32
      %add3A_47 = arith.addi %add3A_46, %mul3A_45 : i32
      %mul3A_48 = arith.constant 16 : i32
      %mul3A_49 = arith.muli %add3A_47, %mul3A_48 : i32
      %broadcast_in_dim3A = arith.constant 0.000000e+00 : f32
      %broadcast_in_dim3A_50 = vector.broadcast %broadcast_in_dim3A : f32 to vector<16xf32>
      %swap3A = arith.index_cast %mul3A_49 : i32 to index
      %swap3A_51 = tpu.vector_load %arg8[%swap3A] {strides = array<i32>} : memref<1024xf32, #tpu.memory_space<vmem>>, vector<16xf32>,
      tpu.vector_store %arg8[%swap3A], %broadcast_in_dim3A_50 {strides = array<i32>} : memref<1024xf32, #tpu.memory_space<vmem>>, vector<16xf32>,
      %broadcast_in_dim3A_52 = arith.constant 0.000000e+00 : f32
      %broadcast_in_dim3A_53 = vector.broadcast %broadcast_in_dim3A_52 : f32 to vector<16xf32>
      %swap3A_54 = arith.index_cast %mul3A_49 : i32 to index
      %swap3A_55 = tpu.vector_load %arg9[%swap3A_54] {strides = array<i32>} : memref<1024xf32, #tpu.memory_space<vmem>>, vector<16xf32>,
      tpu.vector_store %arg9[%swap3A_54], %broadcast_in_dim3A_53 {strides = array<i32>} : memref<1024xf32, #tpu.memory_space<vmem>>, vector<16xf32>,
    }
    %scan3A_8 = arith.constant 64 : i32
    %add3A_9 = arith.constant 0 : i32
    %add3A_10 = arith.addi %add3A_4, %add3A_9 : i32
    %dma_start3A = arith.constant 0 : i32
    %dma_start3A_11 = arith.constant 0 : i32
    %dma_start3A_12 = arith.constant 0 : i32
    %dma_start3A_13 = tpu.memref_slice %arg7[%dma_start3A, %dma_start3A_11, %dma_start3A_12] : memref<2x32x1024xf32, #tpu.memory_space<vmem>> -> memref<1x32x1024xf32, #tpu.memory_space<vmem>>
    %dma_start3A_14 = tpu.memref_squeeze %dma_start3A_13 : memref<1x32x1024xf32, #tpu.memory_space<vmem>> -> memref<32x1024xf32, #tpu.memory_space<vmem>>
    %dma_start3A_15 = arith.constant 0 : i32
    %dma_start3A_16 = tpu.memref_slice %arg2[%add3A_10, %dma_start3A_15] : memref<100016x1024xf32, #tpu.memory_space<hbm>> -> memref<32x1024xf32, #tpu.memory_space<hbm>>
    %dma_start3A_17 = arith.constant 0 : i32
    %dma_start3A_18 = arith.constant 0 : i32
    %dma_start3A_19 = tpu.memref_slice %arg7[%dma_start3A, %dma_start3A_17, %dma_start3A_18] : memref<2x32x1024xf32, #tpu.memory_space<vmem>> -> memref<1x32x1024xf32, #tpu.memory_space<vmem>>
    %dma_start3A_20 = tpu.memref_squeeze %dma_start3A_19 : memref<1x32x1024xf32, #tpu.memory_space<vmem>> -> memref<32x1024xf32, #tpu.memory_space<vmem>>
    %dma_start3A_21 = arith.constant 0 : i32
    %dma_start3A_22 = tpu.memref_slice %arg2[%add3A_10, %dma_start3A_21] : memref<100016x1024xf32, #tpu.memory_space<hbm>> -> memref<32x1024xf32, #tpu.memory_space<hbm>>
    tpu.enqueue_dma source(%dma_start3A_22 : memref<32x1024xf32, #tpu.memory_space<hbm>>) target(%dma_start3A_20 : memref<32x1024xf32, #tpu.memory_space<vmem>>) target_semaphore(%arg10 : memref<!tpu.dma_semaphore, #tpu.memory_space<semaphore_mem>>)
    %add3A_23 = arith.constant 32 : i32
    %add3A_24 = arith.addi %add3A_4, %add3A_23 : i32
    %dma_start3A_25 = arith.constant 1 : i32
    %dma_start3A_26 = arith.constant 0 : i32
    %dma_start3A_27 = arith.constant 0 : i32
    %dma_start3A_28 = tpu.memref_slice %arg7[%dma_start3A_25, %dma_start3A_26, %dma_start3A_27] : memref<2x32x1024xf32, #tpu.memory_space<vmem>> -> memref<1x32x1024xf32, #tpu.memory_space<vmem>>
    %dma_start3A_29 = tpu.memref_squeeze %dma_start3A_28 : memref<1x32x1024xf32, #tpu.memory_space<vmem>> -> memref<32x1024xf32, #tpu.memory_space<vmem>>
    %dma_start3A_30 = arith.constant 0 : i32
    %dma_start3A_31 = tpu.memref_slice %arg2[%add3A_24, %dma_start3A_30] : memref<100016x1024xf32, #tpu.memory_space<hbm>> -> memref<32x1024xf32, #tpu.memory_space<hbm>>
    %dma_start3A_32 = arith.constant 0 : i32
    %dma_start3A_33 = arith.constant 0 : i32
    %dma_start3A_34 = tpu.memref_slice %arg7[%dma_start3A_25, %dma_start3A_32, %dma_start3A_33] : memref<2x32x1024xf32, #tpu.memory_space<vmem>> -> memref<1x32x1024xf32, #tpu.memory_space<vmem>>
    %dma_start3A_35 = tpu.memref_squeeze %dma_start3A_34 : memref<1x32x1024xf32, #tpu.memory_space<vmem>> -> memref<32x1024xf32, #tpu.memory_space<vmem>>
    %dma_start3A_36 = arith.constant 0 : i32
    %dma_start3A_37 = tpu.memref_slice %arg2[%add3A_24, %dma_start3A_36] : memref<100016x1024xf32, #tpu.memory_space<hbm>> -> memref<32x1024xf32, #tpu.memory_space<hbm>>
    tpu.enqueue_dma source(%dma_start3A_37 : memref<32x1024xf32, #tpu.memory_space<hbm>>) target(%dma_start3A_35 : memref<32x1024xf32, #tpu.memory_space<vmem>>) target_semaphore(%arg11 : memref<!tpu.dma_semaphore, #tpu.memory_space<semaphore_mem>>)
    %scan3A_38 = arith.constant 0 : i32
    %scan3A_39 = arith.constant 20 : i32
    %scan3A_40 = arith.addi %scan3A_38, %scan3A_39 : i32
    %scan3A_41 = arith.constant 1 : i32
    scf.for %scan3A_43 = %scan3A_38 to %scan3A_40 step %scan3A_41  : i32 {
      %mul3A_44 = arith.constant 2 : i32
      %mul3A_45 = arith.muli %scan3A_43, %mul3A_44 : i32
      %add3A_46 = arith.constant 0 : i32
      %add3A_47 = arith.addi %add3A_46, %mul3A_45 : i32
      %dma_wait3A = arith.constant 0 : i32
      %dma_wait3A_48 = arith.constant 0 : i32
      %dma_wait3A_49 = arith.constant 0 : i32
      %dma_wait3A_50 = tpu.memref_slice %arg7[%dma_wait3A, %dma_wait3A_48, %dma_wait3A_49] : memref<2x32x1024xf32, #tpu.memory_space<vmem>> -> memref<1x32x1024xf32, #tpu.memory_space<vmem>>
      %dma_wait3A_51 = tpu.memref_squeeze %dma_wait3A_50 : memref<1x32x1024xf32, #tpu.memory_space<vmem>> -> memref<32x1024xf32, #tpu.memory_space<vmem>>
      %dma_wait3A_52 = arith.constant 0 : i32
      %dma_wait3A_53 = arith.constant 0 : i32
      %dma_wait3A_54 = tpu.memref_slice %arg2[%dma_wait3A_52, %dma_wait3A_53] : memref<100016x1024xf32, #tpu.memory_space<hbm>> -> memref<32x1024xf32, #tpu.memory_space<hbm>>
      %dma_wait3A_55 = arith.constant 0 : i32
      %dma_wait3A_56 = arith.constant 0 : i32
      %dma_wait3A_57 = tpu.memref_slice %arg7[%dma_wait3A, %dma_wait3A_55, %dma_wait3A_56] : memref<2x32x1024xf32, #tpu.memory_space<vmem>> -> memref<1x32x1024xf32, #tpu.memory_space<vmem>>
      %dma_wait3A_58 = tpu.memref_squeeze %dma_wait3A_57 : memref<1x32x1024xf32, #tpu.memory_space<vmem>> -> memref<32x1024xf32, #tpu.memory_space<vmem>>
      %dma_wait3A_59 = arith.constant 0 : i32
      %dma_wait3A_60 = arith.constant 0 : i32
      %dma_wait3A_61 = tpu.memref_slice %arg2[%dma_wait3A_59, %dma_wait3A_60] : memref<100016x1024xf32, #tpu.memory_space<hbm>> -> memref<32x1024xf32, #tpu.memory_space<hbm>>
      tpu.wait_dma2 semaphore(%arg10 : memref<!tpu.dma_semaphore, #tpu.memory_space<semaphore_mem>>) src(%dma_wait3A_61 : memref<32x1024xf32, #tpu.memory_space<hbm>>) dst(%dma_wait3A_58 : memref<32x1024xf32, #tpu.memory_space<vmem>>)
      %mul3A_62 = arith.constant 32 : i32
      %mul3A_63 = arith.muli %add3A_47, %mul3A_62 : i32
      %add3A_64 = arith.addi %add3A_4, %mul3A_63 : i32
      %scan3A_65 = arith.constant 0 : i32
      %scan3A_66 = arith.constant 0 : i32
      %scan3A_67 = arith.constant 64 : i32
      %scan3A_68 = arith.addi %scan3A_66, %scan3A_67 : i32
      %scan3A_69 = arith.constant 1 : i32
      scf.for %scan3A_108 = %scan3A_66 to %scan3A_68 step %scan3A_69  : i32 {
        %mul3A_109 = arith.constant 1 : i32
        %mul3A_110 = arith.muli %scan3A_108, %mul3A_109 : i32
        %add3A_111 = arith.constant 0 : i32
        %add3A_112 = arith.addi %add3A_111, %mul3A_110 : i32
        %mul3A_113 = arith.constant 16 : i32
        %mul3A_114 = arith.muli %add3A_112, %mul3A_113 : i32
        %get3A = arith.constant 0 : i32
        %get3A_115 = arith.constant 0 : i32
        %get3A_116 = arith.constant 0 : i32
        %get3A_117 = tpu.memref_slice %arg7[%scan3A_65, %get3A_115, %get3A_116] : memref<2x32x1024xf32, #tpu.memory_space<vmem>> -> memref<1x32x1024xf32, #tpu.memory_space<vmem>>
        %get3A_118 = tpu.memref_squeeze %get3A_117 : memref<1x32x1024xf32, #tpu.memory_space<vmem>> -> memref<32x1024xf32, #tpu.memory_space<vmem>>
        %get3A_119 = arith.index_cast %get3A : i32 to index
        %get3A_120 = arith.index_cast %mul3A_114 : i32 to index
        %get3A_121 = tpu.vector_load %get3A_118[%get3A_119, %get3A_120] {strides = array<i32>} : memref<32x1024xf32, #tpu.memory_space<vmem>>, vector<16xf32>,
        %get3A_122 = arith.constant 1 : i32
        %get3A_123 = arith.constant 0 : i32
        %get3A_124 = arith.constant 0 : i32
        %get3A_125 = tpu.memref_slice %arg7[%scan3A_65, %get3A_123, %get3A_124] : memref<2x32x1024xf32, #tpu.memory_space<vmem>> -> memref<1x32x1024xf32, #tpu.memory_space<vmem>>
        %get3A_126 = tpu.memref_squeeze %get3A_125 : memref<1x32x1024xf32, #tpu.memory_space<vmem>> -> memref<32x1024xf32, #tpu.memory_space<vmem>>
        %get3A_127 = arith.index_cast %get3A_122 : i32 to index
        %get3A_128 = arith.index_cast %mul3A_114 : i32 to index
        %get3A_129 = tpu.vector_load %get3A_126[%get3A_127, %get3A_128] {strides = array<i32>} : memref<32x1024xf32, #tpu.memory_space<vmem>>, vector<16xf32>,
        %get3A_130 = arith.constant 2 : i32
        %get3A_131 = arith.constant 0 : i32
        %get3A_132 = arith.constant 0 : i32
        %get3A_133 = tpu.memref_slice %arg7[%scan3A_65, %get3A_131, %get3A_132] : memref<2x32x1024xf32, #tpu.memory_space<vmem>> -> memref<1x32x1024xf32, #tpu.memory_space<vmem>>
        %get3A_134 = tpu.memref_squeeze %get3A_133 : memref<1x32x1024xf32, #tpu.memory_space<vmem>> -> memref<32x1024xf32, #tpu.memory_space<vmem>>
        %get3A_135 = arith.index_cast %get3A_130 : i32 to index
        %get3A_136 = arith.index_cast %mul3A_114 : i32 to index
        %get3A_137 = tpu.vector_load %get3A_134[%get3A_135, %get3A_136] {strides = array<i32>} : memref<32x1024xf32, #tpu.memory_space<vmem>>, vector<16xf32>,
        %get3A_138 = arith.constant 3 : i32
        %get3A_139 = arith.constant 0 : i32
        %get3A_140 = arith.constant 0 : i32
        %get3A_141 = tpu.memref_slice %arg7[%scan3A_65, %get3A_139, %get3A_140] : memref<2x32x1024xf32, #tpu.memory_space<vmem>> -> memref<1x32x1024xf32, #tpu.memory_space<vmem>>
        %get3A_142 = tpu.memref_squeeze %get3A_141 : memref<1x32x1024xf32, #tpu.memory_space<vmem>> -> memref<32x1024xf32, #tpu.memory_space<vmem>>
        %get3A_143 = arith.index_cast %get3A_138 : i32 to index
        %get3A_144 = arith.index_cast %mul3A_114 : i32 to index
        %get3A_145 = tpu.vector_load %get3A_142[%get3A_143, %get3A_144] {strides = array<i32>} : memref<32x1024xf32, #tpu.memory_space<vmem>>, vector<16xf32>,
        %get3A_146 = arith.constant 4 : i32
        %get3A_147 = arith.constant 0 : i32
        %get3A_148 = arith.constant 0 : i32
        %get3A_149 = tpu.memref_slice %arg7[%scan3A_65, %get3A_147, %get3A_148] : memref<2x32x1024xf32, #tpu.memory_space<vmem>> -> memref<1x32x1024xf32, #tpu.memory_space<vmem>>
        %get3A_150 = tpu.memref_squeeze %get3A_149 : memref<1x32x1024xf32, #tpu.memory_space<vmem>> -> memref<32x1024xf32, #tpu.memory_space<vmem>>
        %get3A_151 = arith.index_cast %get3A_146 : i32 to index
        %get3A_152 = arith.index_cast %mul3A_114 : i32 to index
        %get3A_153 = tpu.vector_load %get3A_150[%get3A_151, %get3A_152] {strides = array<i32>} : memref<32x1024xf32, #tpu.memory_space<vmem>>, vector<16xf32>,
        %add3A_154 = arith.addf %get3A_121, %get3A_153 : vector<16xf32>
        %get3A_155 = arith.constant 5 : i32
        %get3A_156 = arith.constant 0 : i32
        %get3A_157 = arith.constant 0 : i32
        %get3A_158 = tpu.memref_slice %arg7[%scan3A_65, %get3A_156, %get3A_157] : memref<2x32x1024xf32, #tpu.memory_space<vmem>> -> memref<1x32x1024xf32, #tpu.memory_space<vmem>>
        %get3A_159 = tpu.memref_squeeze %get3A_158 : memref<1x32x1024xf32, #tpu.memory_space<vmem>> -> memref<32x1024xf32, #tpu.memory_space<vmem>>
        %get3A_160 = arith.index_cast %get3A_155 : i32 to index
        %get3A_161 = arith.index_cast %mul3A_114 : i32 to index
        %get3A_162 = tpu.vector_load %get3A_159[%get3A_160, %get3A_161] {strides = array<i32>} : memref<32x1024xf32, #tpu.memory_space<vmem>>, vector<16xf32>,
        %add3A_163 = arith.addf %get3A_129, %get3A_162 : vector<16xf32>
        %get3A_164 = arith.constant 6 : i32
        %get3A_165 = arith.constant 0 : i32
        %get3A_166 = arith.constant 0 : i32
        %get3A_167 = tpu.memref_slice %arg7[%scan3A_65, %get3A_165, %get3A_166] : memref<2x32x1024xf32, #tpu.memory_space<vmem>> -> memref<1x32x1024xf32, #tpu.memory_space<vmem>>
        %get3A_168 = tpu.memref_squeeze %get3A_167 : memref<1x32x1024xf32, #tpu.memory_space<vmem>> -> memref<32x1024xf32, #tpu.memory_space<vmem>>
        %get3A_169 = arith.index_cast %get3A_164 : i32 to index
        %get3A_170 = arith.index_cast %mul3A_114 : i32 to index
        %get3A_171 = tpu.vector_load %get3A_168[%get3A_169, %get3A_170] {strides = array<i32>} : memref<32x1024xf32, #tpu.memory_space<vmem>>, vector<16xf32>,
        %add3A_172 = arith.addf %get3A_137, %get3A_171 : vector<16xf32>
        %get3A_173 = arith.constant 7 : i32
        %get3A_174 = arith.constant 0 : i32
        %get3A_175 = arith.constant 0 : i32
        %get3A_176 = tpu.memref_slice %arg7[%scan3A_65, %get3A_174, %get3A_175] : memref<2x32x1024xf32, #tpu.memory_space<vmem>> -> memref<1x32x1024xf32, #tpu.memory_space<vmem>>
        %get3A_177 = tpu.memref_squeeze %get3A_176 : memref<1x32x1024xf32, #tpu.memory_space<vmem>> -> memref<32x1024xf32, #tpu.memory_space<vmem>>
        %get3A_178 = arith.index_cast %get3A_173 : i32 to index
        %get3A_179 = arith.index_cast %mul3A_114 : i32 to index
        %get3A_180 = tpu.vector_load %get3A_177[%get3A_178, %get3A_179] {strides = array<i32>} : memref<32x1024xf32, #tpu.memory_space<vmem>>, vector<16xf32>,
        %add3A_181 = arith.addf %get3A_145, %get3A_180 : vector<16xf32>
        %get3A_182 = arith.constant 8 : i32
        %get3A_183 = arith.constant 0 : i32
        %get3A_184 = arith.constant 0 : i32
        %get3A_185 = tpu.memref_slice %arg7[%scan3A_65, %get3A_183, %get3A_184] : memref<2x32x1024xf32, #tpu.memory_space<vmem>> -> memref<1x32x1024xf32, #tpu.memory_space<vmem>>
        %get3A_186 = tpu.memref_squeeze %get3A_185 : memref<1x32x1024xf32, #tpu.memory_space<vmem>> -> memref<32x1024xf32, #tpu.memory_space<vmem>>
        %get3A_187 = arith.index_cast %get3A_182 : i32 to index
        %get3A_188 = arith.index_cast %mul3A_114 : i32 to index
        %get3A_189 = tpu.vector_load %get3A_186[%get3A_187, %get3A_188] {strides = array<i32>} : memref<32x1024xf32, #tpu.memory_space<vmem>>, vector<16xf32>,
        %add3A_190 = arith.addf %add3A_154, %get3A_189 : vector<16xf32>
        %get3A_191 = arith.constant 9 : i32
        %get3A_192 = arith.constant 0 : i32
        %get3A_193 = arith.constant 0 : i32
        %get3A_194 = tpu.memref_slice %arg7[%scan3A_65, %get3A_192, %get3A_193] : memref<2x32x1024xf32, #tpu.memory_space<vmem>> -> memref<1x32x1024xf32, #tpu.memory_space<vmem>>
        %get3A_195 = tpu.memref_squeeze %get3A_194 : memref<1x32x1024xf32, #tpu.memory_space<vmem>> -> memref<32x1024xf32, #tpu.memory_space<vmem>>
        %get3A_196 = arith.index_cast %get3A_191 : i32 to index
        %get3A_197 = arith.index_cast %mul3A_114 : i32 to index
        %get3A_198 = tpu.vector_load %get3A_195[%get3A_196, %get3A_197] {strides = array<i32>} : memref<32x1024xf32, #tpu.memory_space<vmem>>, vector<16xf32>,
        %add3A_199 = arith.addf %add3A_163, %get3A_198 : vector<16xf32>
        %get3A_200 = arith.constant 10 : i32
        %get3A_201 = arith.constant 0 : i32
        %get3A_202 = arith.constant 0 : i32
        %get3A_203 = tpu.memref_slice %arg7[%scan3A_65, %get3A_201, %get3A_202] : memref<2x32x1024xf32, #tpu.memory_space<vmem>> -> memref<1x32x1024xf32, #tpu.memory_space<vmem>>
        %get3A_204 = tpu.memref_squeeze %get3A_203 : memref<1x32x1024xf32, #tpu.memory_space<vmem>> -> memref<32x1024xf32, #tpu.memory_space<vmem>>
        %get3A_205 = arith.index_cast %get3A_200 : i32 to index
        %get3A_206 = arith.index_cast %mul3A_114 : i32 to index
        %get3A_207 = tpu.vector_load %get3A_204[%get3A_205, %get3A_206] {strides = array<i32>} : memref<32x1024xf32, #tpu.memory_space<vmem>>, vector<16xf32>,
        %add3A_208 = arith.addf %add3A_172, %get3A_207 : vector<16xf32>
        %get3A_209 = arith.constant 11 : i32
        %get3A_210 = arith.constant 0 : i32
        %get3A_211 = arith.constant 0 : i32
        %get3A_212 = tpu.memref_slice %arg7[%scan3A_65, %get3A_210, %get3A_211] : memref<2x32x1024xf32, #tpu.memory_space<vmem>> -> memref<1x32x1024xf32, #tpu.memory_space<vmem>>
        %get3A_213 = tpu.memref_squeeze %get3A_212 : memref<1x32x1024xf32, #tpu.memory_space<vmem>> -> memref<32x1024xf32, #tpu.memory_space<vmem>>
        %get3A_214 = arith.index_cast %get3A_209 : i32 to index
        %get3A_215 = arith.index_cast %mul3A_114 : i32 to index
        %get3A_216 = tpu.vector_load %get3A_213[%get3A_214, %get3A_215] {strides = array<i32>} : memref<32x1024xf32, #tpu.memory_space<vmem>>, vector<16xf32>,
        %add3A_217 = arith.addf %add3A_181, %get3A_216 : vector<16xf32>
        %get3A_218 = arith.constant 12 : i32
        %get3A_219 = arith.constant 0 : i32
        %get3A_220 = arith.constant 0 : i32
        %get3A_221 = tpu.memref_slice %arg7[%scan3A_65, %get3A_219, %get3A_220] : memref<2x32x1024xf32, #tpu.memory_space<vmem>> -> memref<1x32x1024xf32, #tpu.memory_space<vmem>>
        %get3A_222 = tpu.memref_squeeze %get3A_221 : memref<1x32x1024xf32, #tpu.memory_space<vmem>> -> memref<32x1024xf32, #tpu.memory_space<vmem>>
        %get3A_223 = arith.index_cast %get3A_218 : i32 to index
        %get3A_224 = arith.index_cast %mul3A_114 : i32 to index
        %get3A_225 = tpu.vector_load %get3A_222[%get3A_223, %get3A_224] {strides = array<i32>} : memref<32x1024xf32, #tpu.memory_space<vmem>>, vector<16xf32>,
        %add3A_226 = arith.addf %add3A_190, %get3A_225 : vector<16xf32>
        %get3A_227 = arith.constant 13 : i32
        %get3A_228 = arith.constant 0 : i32
        %get3A_229 = arith.constant 0 : i32
        %get3A_230 = tpu.memref_slice %arg7[%scan3A_65, %get3A_228, %get3A_229] : memref<2x32x1024xf32, #tpu.memory_space<vmem>> -> memref<1x32x1024xf32, #tpu.memory_space<vmem>>
        %get3A_231 = tpu.memref_squeeze %get3A_230 : memref<1x32x1024xf32, #tpu.memory_space<vmem>> -> memref<32x1024xf32, #tpu.memory_space<vmem>>
        %get3A_232 = arith.index_cast %get3A_227 : i32 to index
        %get3A_233 = arith.index_cast %mul3A_114 : i32 to index
        %get3A_234 = tpu.vector_load %get3A_231[%get3A_232, %get3A_233] {strides = array<i32>} : memref<32x1024xf32, #tpu.memory_space<vmem>>, vector<16xf32>,
        %add3A_235 = arith.addf %add3A_199, %get3A_234 : vector<16xf32>
        %get3A_236 = arith.constant 14 : i32
        %get3A_237 = arith.constant 0 : i32
        %get3A_238 = arith.constant 0 : i32
        %get3A_239 = tpu.memref_slice %arg7[%scan3A_65, %get3A_237, %get3A_238] : memref<2x32x1024xf32, #tpu.memory_space<vmem>> -> memref<1x32x1024xf32, #tpu.memory_space<vmem>>
        %get3A_240 = tpu.memref_squeeze %get3A_239 : memref<1x32x1024xf32, #tpu.memory_space<vmem>> -> memref<32x1024xf32, #tpu.memory_space<vmem>>
        %get3A_241 = arith.index_cast %get3A_236 : i32 to index
        %get3A_242 = arith.index_cast %mul3A_114 : i32 to index
        %get3A_243 = tpu.vector_load %get3A_240[%get3A_241, %get3A_242] {strides = array<i32>} : memref<32x1024xf32, #tpu.memory_space<vmem>>, vector<16xf32>,
        %add3A_244 = arith.addf %add3A_208, %get3A_243 : vector<16xf32>
        %get3A_245 = arith.constant 15 : i32
        %get3A_246 = arith.constant 0 : i32
        %get3A_247 = arith.constant 0 : i32
        %get3A_248 = tpu.memref_slice %arg7[%scan3A_65, %get3A_246, %get3A_247] : memref<2x32x1024xf32, #tpu.memory_space<vmem>> -> memref<1x32x1024xf32, #tpu.memory_space<vmem>>
        %get3A_249 = tpu.memref_squeeze %get3A_248 : memref<1x32x1024xf32, #tpu.memory_space<vmem>> -> memref<32x1024xf32, #tpu.memory_space<vmem>>
        %get3A_250 = arith.index_cast %get3A_245 : i32 to index
        %get3A_251 = arith.index_cast %mul3A_114 : i32 to index
        %get3A_252 = tpu.vector_load %get3A_249[%get3A_250, %get3A_251] {strides = array<i32>} : memref<32x1024xf32, #tpu.memory_space<vmem>>, vector<16xf32>,
        %add3A_253 = arith.addf %add3A_217, %get3A_252 : vector<16xf32>
        %get3A_254 = arith.constant 16 : i32
        %get3A_255 = arith.constant 0 : i32
        %get3A_256 = arith.constant 0 : i32
        %get3A_257 = tpu.memref_slice %arg7[%scan3A_65, %get3A_255, %get3A_256] : memref<2x32x1024xf32, #tpu.memory_space<vmem>> -> memref<1x32x1024xf32, #tpu.memory_space<vmem>>
        %get3A_258 = tpu.memref_squeeze %get3A_257 : memref<1x32x1024xf32, #tpu.memory_space<vmem>> -> memref<32x1024xf32, #tpu.memory_space<vmem>>
        %get3A_259 = arith.index_cast %get3A_254 : i32 to index
        %get3A_260 = arith.index_cast %mul3A_114 : i32 to index
        %get3A_261 = tpu.vector_load %get3A_258[%get3A_259, %get3A_260] {strides = array<i32>} : memref<32x1024xf32, #tpu.memory_space<vmem>>, vector<16xf32>,
        %add3A_262 = arith.addf %add3A_226, %get3A_261 : vector<16xf32>
        %get3A_263 = arith.constant 17 : i32
        %get3A_264 = arith.constant 0 : i32
        %get3A_265 = arith.constant 0 : i32
        %get3A_266 = tpu.memref_slice %arg7[%scan3A_65, %get3A_264, %get3A_265] : memref<2x32x1024xf32, #tpu.memory_space<vmem>> -> memref<1x32x1024xf32, #tpu.memory_space<vmem>>
        %get3A_267 = tpu.memref_squeeze %get3A_266 : memref<1x32x1024xf32, #tpu.memory_space<vmem>> -> memref<32x1024xf32, #tpu.memory_space<vmem>>
        %get3A_268 = arith.index_cast %get3A_263 : i32 to index
        %get3A_269 = arith.index_cast %mul3A_114 : i32 to index
        %get3A_270 = tpu.vector_load %get3A_267[%get3A_268, %get3A_269] {strides = array<i32>} : memref<32x1024xf32, #tpu.memory_space<vmem>>, vector<16xf32>,
        %add3A_271 = arith.addf %add3A_235, %get3A_270 : vector<16xf32>
        %get3A_272 = arith.constant 18 : i32
        %get3A_273 = arith.constant 0 : i32
        %get3A_274 = arith.constant 0 : i32
        %get3A_275 = tpu.memref_slice %arg7[%scan3A_65, %get3A_273, %get3A_274] : memref<2x32x1024xf32, #tpu.memory_space<vmem>> -> memref<1x32x1024xf32, #tpu.memory_space<vmem>>
        %get3A_276 = tpu.memref_squeeze %get3A_275 : memref<1x32x1024xf32, #tpu.memory_space<vmem>> -> memref<32x1024xf32, #tpu.memory_space<vmem>>
        %get3A_277 = arith.index_cast %get3A_272 : i32 to index
        %get3A_278 = arith.index_cast %mul3A_114 : i32 to index
        %get3A_279 = tpu.vector_load %get3A_276[%get3A_277, %get3A_278] {strides = array<i32>} : memref<32x1024xf32, #tpu.memory_space<vmem>>, vector<16xf32>,
        %add3A_280 = arith.addf %add3A_244, %get3A_279 : vector<16xf32>
        %get3A_281 = arith.constant 19 : i32
        %get3A_282 = arith.constant 0 : i32
        %get3A_283 = arith.constant 0 : i32
        %get3A_284 = tpu.memref_slice %arg7[%scan3A_65, %get3A_282, %get3A_283] : memref<2x32x1024xf32, #tpu.memory_space<vmem>> -> memref<1x32x1024xf32, #tpu.memory_space<vmem>>
        %get3A_285 = tpu.memref_squeeze %get3A_284 : memref<1x32x1024xf32, #tpu.memory_space<vmem>> -> memref<32x1024xf32, #tpu.memory_space<vmem>>
        %get3A_286 = arith.index_cast %get3A_281 : i32 to index
        %get3A_287 = arith.index_cast %mul3A_114 : i32 to index
        %get3A_288 = tpu.vector_load %get3A_285[%get3A_286, %get3A_287] {strides = array<i32>} : memref<32x1024xf32, #tpu.memory_space<vmem>>, vector<16xf32>,
        %add3A_289 = arith.addf %add3A_253, %get3A_288 : vector<16xf32>
        %get3A_290 = arith.constant 20 : i32
        %get3A_291 = arith.constant 0 : i32
        %get3A_292 = arith.constant 0 : i32
        %get3A_293 = tpu.memref_slice %arg7[%scan3A_65, %get3A_291, %get3A_292] : memref<2x32x1024xf32, #tpu.memory_space<vmem>> -> memref<1x32x1024xf32, #tpu.memory_space<vmem>>
        %get3A_294 = tpu.memref_squeeze %get3A_293 : memref<1x32x1024xf32, #tpu.memory_space<vmem>> -> memref<32x1024xf32, #tpu.memory_space<vmem>>
        %get3A_295 = arith.index_cast %get3A_290 : i32 to index
        %get3A_296 = arith.index_cast %mul3A_114 : i32 to index
        %get3A_297 = tpu.vector_load %get3A_294[%get3A_295, %get3A_296] {strides = array<i32>} : memref<32x1024xf32, #tpu.memory_space<vmem>>, vector<16xf32>,
        %add3A_298 = arith.addf %add3A_262, %get3A_297 : vector<16xf32>
        %get3A_299 = arith.constant 21 : i32
        %get3A_300 = arith.constant 0 : i32
        %get3A_301 = arith.constant 0 : i32
        %get3A_302 = tpu.memref_slice %arg7[%scan3A_65, %get3A_300, %get3A_301] : memref<2x32x1024xf32, #tpu.memory_space<vmem>> -> memref<1x32x1024xf32, #tpu.memory_space<vmem>>
        %get3A_303 = tpu.memref_squeeze %get3A_302 : memref<1x32x1024xf32, #tpu.memory_space<vmem>> -> memref<32x1024xf32, #tpu.memory_space<vmem>>
        %get3A_304 = arith.index_cast %get3A_299 : i32 to index
        %get3A_305 = arith.index_cast %mul3A_114 : i32 to index
        %get3A_306 = tpu.vector_load %get3A_303[%get3A_304, %get3A_305] {strides = array<i32>} : memref<32x1024xf32, #tpu.memory_space<vmem>>, vector<16xf32>,
        %add3A_307 = arith.addf %add3A_271, %get3A_306 : vector<16xf32>
        %get3A_308 = arith.constant 22 : i32
        %get3A_309 = arith.constant 0 : i32
        %get3A_310 = arith.constant 0 : i32
        %get3A_311 = tpu.memref_slice %arg7[%scan3A_65, %get3A_309, %get3A_310] : memref<2x32x1024xf32, #tpu.memory_space<vmem>> -> memref<1x32x1024xf32, #tpu.memory_space<vmem>>
        %get3A_312 = tpu.memref_squeeze %get3A_311 : memref<1x32x1024xf32, #tpu.memory_space<vmem>> -> memref<32x1024xf32, #tpu.memory_space<vmem>>
        %get3A_313 = arith.index_cast %get3A_308 : i32 to index
        %get3A_314 = arith.index_cast %mul3A_114 : i32 to index
        %get3A_315 = tpu.vector_load %get3A_312[%get3A_313, %get3A_314] {strides = array<i32>} : memref<32x1024xf32, #tpu.memory_space<vmem>>, vector<16xf32>,
        %add3A_316 = arith.addf %add3A_280, %get3A_315 : vector<16xf32>
        %get3A_317 = arith.constant 23 : i32
        %get3A_318 = arith.constant 0 : i32
        %get3A_319 = arith.constant 0 : i32
        %get3A_320 = tpu.memref_slice %arg7[%scan3A_65, %get3A_318, %get3A_319] : memref<2x32x1024xf32, #tpu.memory_space<vmem>> -> memref<1x32x1024xf32, #tpu.memory_space<vmem>>
        %get3A_321 = tpu.memref_squeeze %get3A_320 : memref<1x32x1024xf32, #tpu.memory_space<vmem>> -> memref<32x1024xf32, #tpu.memory_space<vmem>>
        %get3A_322 = arith.index_cast %get3A_317 : i32 to index
        %get3A_323 = arith.index_cast %mul3A_114 : i32 to index
        %get3A_324 = tpu.vector_load %get3A_321[%get3A_322, %get3A_323] {strides = array<i32>} : memref<32x1024xf32, #tpu.memory_space<vmem>>, vector<16xf32>,
        %add3A_325 = arith.addf %add3A_289, %get3A_324 : vector<16xf32>
        %get3A_326 = arith.constant 24 : i32
        %get3A_327 = arith.constant 0 : i32
        %get3A_328 = arith.constant 0 : i32
        %get3A_329 = tpu.memref_slice %arg7[%scan3A_65, %get3A_327, %get3A_328] : memref<2x32x1024xf32, #tpu.memory_space<vmem>> -> memref<1x32x1024xf32, #tpu.memory_space<vmem>>
        %get3A_330 = tpu.memref_squeeze %get3A_329 : memref<1x32x1024xf32, #tpu.memory_space<vmem>> -> memref<32x1024xf32, #tpu.memory_space<vmem>>
        %get3A_331 = arith.index_cast %get3A_326 : i32 to index
        %get3A_332 = arith.index_cast %mul3A_114 : i32 to index
        %get3A_333 = tpu.vector_load %get3A_330[%get3A_331, %get3A_332] {strides = array<i32>} : memref<32x1024xf32, #tpu.memory_space<vmem>>, vector<16xf32>,
        %add3A_334 = arith.addf %add3A_298, %get3A_333 : vector<16xf32>
        %get3A_335 = arith.constant 25 : i32
        %get3A_336 = arith.constant 0 : i32
        %get3A_337 = arith.constant 0 : i32
        %get3A_338 = tpu.memref_slice %arg7[%scan3A_65, %get3A_336, %get3A_337] : memref<2x32x1024xf32, #tpu.memory_space<vmem>> -> memref<1x32x1024xf32, #tpu.memory_space<vmem>>
        %get3A_339 = tpu.memref_squeeze %get3A_338 : memref<1x32x1024xf32, #tpu.memory_space<vmem>> -> memref<32x1024xf32, #tpu.memory_space<vmem>>
        %get3A_340 = arith.index_cast %get3A_335 : i32 to index
        %get3A_341 = arith.index_cast %mul3A_114 : i32 to index
        %get3A_342 = tpu.vector_load %get3A_339[%get3A_340, %get3A_341] {strides = array<i32>} : memref<32x1024xf32, #tpu.memory_space<vmem>>, vector<16xf32>,
        %add3A_343 = arith.addf %add3A_307, %get3A_342 : vector<16xf32>
        %get3A_344 = arith.constant 26 : i32
        %get3A_345 = arith.constant 0 : i32
        %get3A_346 = arith.constant 0 : i32
        %get3A_347 = tpu.memref_slice %arg7[%scan3A_65, %get3A_345, %get3A_346] : memref<2x32x1024xf32, #tpu.memory_space<vmem>> -> memref<1x32x1024xf32, #tpu.memory_space<vmem>>
        %get3A_348 = tpu.memref_squeeze %get3A_347 : memref<1x32x1024xf32, #tpu.memory_space<vmem>> -> memref<32x1024xf32, #tpu.memory_space<vmem>>
        %get3A_349 = arith.index_cast %get3A_344 : i32 to index
        %get3A_350 = arith.index_cast %mul3A_114 : i32 to index
        %get3A_351 = tpu.vector_load %get3A_348[%get3A_349, %get3A_350] {strides = array<i32>} : memref<32x1024xf32, #tpu.memory_space<vmem>>, vector<16xf32>,
        %add3A_352 = arith.addf %add3A_316, %get3A_351 : vector<16xf32>
        %get3A_353 = arith.constant 27 : i32
        %get3A_354 = arith.constant 0 : i32
        %get3A_355 = arith.constant 0 : i32
        %get3A_356 = tpu.memref_slice %arg7[%scan3A_65, %get3A_354, %get3A_355] : memref<2x32x1024xf32, #tpu.memory_space<vmem>> -> memref<1x32x1024xf32, #tpu.memory_space<vmem>>
        %get3A_357 = tpu.memref_squeeze %get3A_356 : memref<1x32x1024xf32, #tpu.memory_space<vmem>> -> memref<32x1024xf32, #tpu.memory_space<vmem>>
        %get3A_358 = arith.index_cast %get3A_353 : i32 to index
        %get3A_359 = arith.index_cast %mul3A_114 : i32 to index
        %get3A_360 = tpu.vector_load %get3A_357[%get3A_358, %get3A_359] {strides = array<i32>} : memref<32x1024xf32, #tpu.memory_space<vmem>>, vector<16xf32>,
        %add3A_361 = arith.addf %add3A_325, %get3A_360 : vector<16xf32>
        %get3A_362 = arith.constant 28 : i32
        %get3A_363 = arith.constant 0 : i32
        %get3A_364 = arith.constant 0 : i32
        %get3A_365 = tpu.memref_slice %arg7[%scan3A_65, %get3A_363, %get3A_364] : memref<2x32x1024xf32, #tpu.memory_space<vmem>> -> memref<1x32x1024xf32, #tpu.memory_space<vmem>>
        %get3A_366 = tpu.memref_squeeze %get3A_365 : memref<1x32x1024xf32, #tpu.memory_space<vmem>> -> memref<32x1024xf32, #tpu.memory_space<vmem>>
        %get3A_367 = arith.index_cast %get3A_362 : i32 to index
        %get3A_368 = arith.index_cast %mul3A_114 : i32 to index
        %get3A_369 = tpu.vector_load %get3A_366[%get3A_367, %get3A_368] {strides = array<i32>} : memref<32x1024xf32, #tpu.memory_space<vmem>>, vector<16xf32>,
        %add3A_370 = arith.addf %add3A_334, %get3A_369 : vector<16xf32>
        %get3A_371 = arith.constant 29 : i32
        %get3A_372 = arith.constant 0 : i32
        %get3A_373 = arith.constant 0 : i32
        %get3A_374 = tpu.memref_slice %arg7[%scan3A_65, %get3A_372, %get3A_373] : memref<2x32x1024xf32, #tpu.memory_space<vmem>> -> memref<1x32x1024xf32, #tpu.memory_space<vmem>>
        %get3A_375 = tpu.memref_squeeze %get3A_374 : memref<1x32x1024xf32, #tpu.memory_space<vmem>> -> memref<32x1024xf32, #tpu.memory_space<vmem>>
        %get3A_376 = arith.index_cast %get3A_371 : i32 to index
        %get3A_377 = arith.index_cast %mul3A_114 : i32 to index
        %get3A_378 = tpu.vector_load %get3A_375[%get3A_376, %get3A_377] {strides = array<i32>} : memref<32x1024xf32, #tpu.memory_space<vmem>>, vector<16xf32>,
        %add3A_379 = arith.addf %add3A_343, %get3A_378 : vector<16xf32>
        %get3A_380 = arith.constant 30 : i32
        %get3A_381 = arith.constant 0 : i32
        %get3A_382 = arith.constant 0 : i32
        %get3A_383 = tpu.memref_slice %arg7[%scan3A_65, %get3A_381, %get3A_382] : memref<2x32x1024xf32, #tpu.memory_space<vmem>> -> memref<1x32x1024xf32, #tpu.memory_space<vmem>>
        %get3A_384 = tpu.memref_squeeze %get3A_383 : memref<1x32x1024xf32, #tpu.memory_space<vmem>> -> memref<32x1024xf32, #tpu.memory_space<vmem>>
        %get3A_385 = arith.index_cast %get3A_380 : i32 to index
        %get3A_386 = arith.index_cast %mul3A_114 : i32 to index
        %get3A_387 = tpu.vector_load %get3A_384[%get3A_385, %get3A_386] {strides = array<i32>} : memref<32x1024xf32, #tpu.memory_space<vmem>>, vector<16xf32>,
        %add3A_388 = arith.addf %add3A_352, %get3A_387 : vector<16xf32>
        %get3A_389 = arith.constant 31 : i32
        %get3A_390 = arith.constant 0 : i32
        %get3A_391 = arith.constant 0 : i32
        %get3A_392 = tpu.memref_slice %arg7[%scan3A_65, %get3A_390, %get3A_391] : memref<2x32x1024xf32, #tpu.memory_space<vmem>> -> memref<1x32x1024xf32, #tpu.memory_space<vmem>>
        %get3A_393 = tpu.memref_squeeze %get3A_392 : memref<1x32x1024xf32, #tpu.memory_space<vmem>> -> memref<32x1024xf32, #tpu.memory_space<vmem>>
        %get3A_394 = arith.index_cast %get3A_389 : i32 to index
        %get3A_395 = arith.index_cast %mul3A_114 : i32 to index
        %get3A_396 = tpu.vector_load %get3A_393[%get3A_394, %get3A_395] {strides = array<i32>} : memref<32x1024xf32, #tpu.memory_space<vmem>>, vector<16xf32>,
        %add3A_397 = arith.addf %add3A_361, %get3A_396 : vector<16xf32>
        %get3A_398 = arith.index_cast %mul3A_114 : i32 to index
        %get3A_399 = tpu.vector_load %arg8[%get3A_398] {strides = array<i32>} : memref<1024xf32, #tpu.memory_space<vmem>>, vector<16xf32>,
        %add3A_400 = arith.addf %add3A_370, %add3A_379 : vector<16xf32>
        %add3A_401 = arith.addf %get3A_399, %add3A_400 : vector<16xf32>
        %add3A_402 = arith.addf %add3A_388, %add3A_397 : vector<16xf32>
        %add3A_403 = arith.addf %add3A_401, %add3A_402 : vector<16xf32>
        %swap3A = arith.index_cast %mul3A_114 : i32 to index
        %swap3A_404 = tpu.vector_load %arg8[%swap3A] {strides = array<i32>} : memref<1024xf32, #tpu.memory_space<vmem>>, vector<16xf32>,
        tpu.vector_store %arg8[%swap3A], %add3A_403 {strides = array<i32>} : memref<1024xf32, #tpu.memory_space<vmem>>, vector<16xf32>,
        %get3A_405 = arith.index_cast %mul3A_114 : i32 to index
        %get3A_406 = tpu.vector_load %arg6[%get3A_405] {strides = array<i32>} : memref<1024xi32, #tpu.memory_space<vmem>>, vector<16xi32>,
        %sub3A = vector.broadcast %add3A_64 : i32 to vector<16xi32>
        %sub3A_407 = arith.subi %get3A_406, %sub3A : vector<16xi32>
        %ge3A = arith.constant 0 : i32
        %ge3A_408 = vector.broadcast %ge3A : i32 to vector<16xi32>
        %ge3A_409 = arith.cmpi sge, %sub3A_407, %ge3A_408 : vector<16xi32>
        %lt3A_410 = arith.constant 32 : i32
        %lt3A_411 = vector.broadcast %lt3A_410 : i32 to vector<16xi32>
        %lt3A_412 = arith.cmpi slt, %sub3A_407, %lt3A_411 : vector<16xi32>
        %and3A = arith.andi %ge3A_409, %lt3A_412 : vector<16xi1>
        %max3A = arith.constant 0 : i32
        %max3A_413 = vector.broadcast %max3A : i32 to vector<16xi32>
        %max3A_414 = arith.maxsi %sub3A_407, %max3A_413 : vector<16xi32>
        %min3A = arith.constant 31 : i32
        %min3A_415 = vector.broadcast %min3A : i32 to vector<16xi32>
        %min3A_416 = arith.minsi %max3A_414, %min3A_415 : vector<16xi32>
        %iota3A = tpu.iota {dimensions = array<i32: 0>} : vector<16xi32>
        %add3A_417 = vector.broadcast %mul3A_114 : i32 to vector<16xi32>
        %add3A_418 = arith.addi %add3A_417, %iota3A : vector<16xi32>
        %gather3A = arith.constant 0 : i32
        %gather3A_419 = arith.constant 0 : i32
        %gather3A_420 = tpu.memref_slice %arg7[%scan3A_65, %gather3A, %gather3A_419] : memref<2x32x1024xf32, #tpu.memory_space<vmem>> -> memref<1x32x1024xf32, #tpu.memory_space<vmem>>
        %gather3A_421 = tpu.memref_squeeze %gather3A_420 : memref<1x32x1024xf32, #tpu.memory_space<vmem>> -> memref<32x1024xf32, #tpu.memory_space<vmem>>
        %gather3A_422 = tpu.vector_load_idx %gather3A_421[%min3A_416, %add3A_418] : memref<32x1024xf32, #tpu.memory_space<vmem>>[vector<16xi32>, vector<16xi32>], vector<16xf32>,
        %broadcast_in_dim3A = arith.constant 0.000000e+00 : f32
        %broadcast_in_dim3A_423 = vector.broadcast %broadcast_in_dim3A : f32 to vector<16xf32>
        %get3A_424 = arith.index_cast %mul3A_114 : i32 to index
        %get3A_425 = tpu.vector_load %arg9[%get3A_424] {strides = array<i32>} : memref<1024xf32, #tpu.memory_space<vmem>>, vector<16xf32>,
        %select_n3A = arith.select %and3A, %gather3A_422, %broadcast_in_dim3A_423 : vector<16xi1>, vector<16xf32>
        %add3A_426 = arith.addf %get3A_425, %select_n3A : vector<16xf32>
        %swap3A_427 = arith.index_cast %mul3A_114 : i32 to index
        %swap3A_428 = tpu.vector_load %arg9[%swap3A_427] {strides = array<i32>} : memref<1024xf32, #tpu.memory_space<vmem>>, vector<16xf32>,
        tpu.vector_store %arg9[%swap3A_427], %add3A_426 {strides = array<i32>} : memref<1024xf32, #tpu.memory_space<vmem>>, vector<16xf32>,
      }
      %scan3A_70 = arith.constant 64 : i32
      %add3A_71 = arith.constant 2 : i32
      %add3A_72 = arith.addi %add3A_47, %add3A_71 : i32
      %lt3A = arith.constant 40 : i32
      %lt3A_73 = arith.cmpi slt, %add3A_72, %lt3A : i32
      %convert_element_type3A = arith.extui %lt3A_73 : i1 to i32
      %cond3A = arith.constant 0 : i32
      %cond3A_74 = arith.cmpi ne, %convert_element_type3A, %cond3A : i32
      scf.if %cond3A_74 {
        %add3A_108 = arith.constant 2 : i32
        %add3A_109 = arith.addi %add3A_47, %add3A_108 : i32
        %mul3A_110 = arith.constant 32 : i32
        %mul3A_111 = arith.muli %add3A_109, %mul3A_110 : i32
        %add3A_112 = arith.addi %add3A_4, %mul3A_111 : i32
        %dma_start3A_113 = arith.constant 0 : i32
        %dma_start3A_114 = arith.constant 0 : i32
        %dma_start3A_115 = arith.constant 0 : i32
        %dma_start3A_116 = tpu.memref_slice %arg7[%dma_start3A_113, %dma_start3A_114, %dma_start3A_115] : memref<2x32x1024xf32, #tpu.memory_space<vmem>> -> memref<1x32x1024xf32, #tpu.memory_space<vmem>>
        %dma_start3A_117 = tpu.memref_squeeze %dma_start3A_116 : memref<1x32x1024xf32, #tpu.memory_space<vmem>> -> memref<32x1024xf32, #tpu.memory_space<vmem>>
        %dma_start3A_118 = arith.constant 0 : i32
        %dma_start3A_119 = tpu.memref_slice %arg2[%add3A_112, %dma_start3A_118] : memref<100016x1024xf32, #tpu.memory_space<hbm>> -> memref<32x1024xf32, #tpu.memory_space<hbm>>
        %dma_start3A_120 = arith.constant 0 : i32
        %dma_start3A_121 = arith.constant 0 : i32
        %dma_start3A_122 = tpu.memref_slice %arg7[%dma_start3A_113, %dma_start3A_120, %dma_start3A_121] : memref<2x32x1024xf32, #tpu.memory_space<vmem>> -> memref<1x32x1024xf32, #tpu.memory_space<vmem>>
        %dma_start3A_123 = tpu.memref_squeeze %dma_start3A_122 : memref<1x32x1024xf32, #tpu.memory_space<vmem>> -> memref<32x1024xf32, #tpu.memory_space<vmem>>
        %dma_start3A_124 = arith.constant 0 : i32
        %dma_start3A_125 = tpu.memref_slice %arg2[%add3A_112, %dma_start3A_124] : memref<100016x1024xf32, #tpu.memory_space<hbm>> -> memref<32x1024xf32, #tpu.memory_space<hbm>>
        tpu.enqueue_dma source(%dma_start3A_125 : memref<32x1024xf32, #tpu.memory_space<hbm>>) target(%dma_start3A_123 : memref<32x1024xf32, #tpu.memory_space<vmem>>) target_semaphore(%arg10 : memref<!tpu.dma_semaphore, #tpu.memory_space<semaphore_mem>>)
      } else {
      }
      %dma_wait3A_75 = arith.constant 1 : i32
      %dma_wait3A_76 = arith.constant 0 : i32
      %dma_wait3A_77 = arith.constant 0 : i32
      %dma_wait3A_78 = tpu.memref_slice %arg7[%dma_wait3A_75, %dma_wait3A_76, %dma_wait3A_77] : memref<2x32x1024xf32, #tpu.memory_space<vmem>> -> memref<1x32x1024xf32, #tpu.memory_space<vmem>>
      %dma_wait3A_79 = tpu.memref_squeeze %dma_wait3A_78 : memref<1x32x1024xf32, #tpu.memory_space<vmem>> -> memref<32x1024xf32, #tpu.memory_space<vmem>>
      %dma_wait3A_80 = arith.constant 0 : i32
      %dma_wait3A_81 = arith.constant 0 : i32
      %dma_wait3A_82 = tpu.memref_slice %arg2[%dma_wait3A_80, %dma_wait3A_81] : memref<100016x1024xf32, #tpu.memory_space<hbm>> -> memref<32x1024xf32, #tpu.memory_space<hbm>>
      %dma_wait3A_83 = arith.constant 0 : i32
      %dma_wait3A_84 = arith.constant 0 : i32
      %dma_wait3A_85 = tpu.memref_slice %arg7[%dma_wait3A_75, %dma_wait3A_83, %dma_wait3A_84] : memref<2x32x1024xf32, #tpu.memory_space<vmem>> -> memref<1x32x1024xf32, #tpu.memory_space<vmem>>
      %dma_wait3A_86 = tpu.memref_squeeze %dma_wait3A_85 : memref<1x32x1024xf32, #tpu.memory_space<vmem>> -> memref<32x1024xf32, #tpu.memory_space<vmem>>
      %dma_wait3A_87 = arith.constant 0 : i32
      %dma_wait3A_88 = arith.constant 0 : i32
      %dma_wait3A_89 = tpu.memref_slice %arg2[%dma_wait3A_87, %dma_wait3A_88] : memref<100016x1024xf32, #tpu.memory_space<hbm>> -> memref<32x1024xf32, #tpu.memory_space<hbm>>
      tpu.wait_dma2 semaphore(%arg11 : memref<!tpu.dma_semaphore, #tpu.memory_space<semaphore_mem>>) src(%dma_wait3A_89 : memref<32x1024xf32, #tpu.memory_space<hbm>>) dst(%dma_wait3A_86 : memref<32x1024xf32, #tpu.memory_space<vmem>>)
      %add3A_90 = arith.constant 1 : i32
      %add3A_91 = arith.addi %add3A_47, %add3A_90 : i32
      %mul3A_92 = arith.constant 32 : i32
      %mul3A_93 = arith.muli %add3A_91, %mul3A_92 : i32
      %add3A_94 = arith.addi %add3A_4, %mul3A_93 : i32
      %scan3A_95 = arith.constant 1 : i32
      %scan3A_96 = arith.constant 0 : i32
      %scan3A_97 = arith.constant 64 : i32
      %scan3A_98 = arith.addi %scan3A_96, %scan3A_97 : i32
      %scan3A_99 = arith.constant 1 : i32
      scf.for %scan3A_108 = %scan3A_96 to %scan3A_98 step %scan3A_99  : i32 {
        %mul3A_109 = arith.constant 1 : i32
        %mul3A_110 = arith.muli %scan3A_108, %mul3A_109 : i32
        %add3A_111 = arith.constant 0 : i32
        %add3A_112 = arith.addi %add3A_111, %mul3A_110 : i32
        %mul3A_113 = arith.constant 16 : i32
        %mul3A_114 = arith.muli %add3A_112, %mul3A_113 : i32
        %get3A = arith.constant 0 : i32
        %get3A_115 = arith.constant 0 : i32
        %get3A_116 = arith.constant 0 : i32
        %get3A_117 = tpu.memref_slice %arg7[%scan3A_95, %get3A_115, %get3A_116] : memref<2x32x1024xf32, #tpu.memory_space<vmem>> -> memref<1x32x1024xf32, #tpu.memory_space<vmem>>
        %get3A_118 = tpu.memref_squeeze %get3A_117 : memref<1x32x1024xf32, #tpu.memory_space<vmem>> -> memref<32x1024xf32, #tpu.memory_space<vmem>>
        %get3A_119 = arith.index_cast %get3A : i32 to index
        %get3A_120 = arith.index_cast %mul3A_114 : i32 to index
        %get3A_121 = tpu.vector_load %get3A_118[%get3A_119, %get3A_120] {strides = array<i32>} : memref<32x1024xf32, #tpu.memory_space<vmem>>, vector<16xf32>,
        %get3A_122 = arith.constant 1 : i32
        %get3A_123 = arith.constant 0 : i32
        %get3A_124 = arith.constant 0 : i32
        %get3A_125 = tpu.memref_slice %arg7[%scan3A_95, %get3A_123, %get3A_124] : memref<2x32x1024xf32, #tpu.memory_space<vmem>> -> memref<1x32x1024xf32, #tpu.memory_space<vmem>>
        %get3A_126 = tpu.memref_squeeze %get3A_125 : memref<1x32x1024xf32, #tpu.memory_space<vmem>> -> memref<32x1024xf32, #tpu.memory_space<vmem>>
        %get3A_127 = arith.index_cast %get3A_122 : i32 to index
        %get3A_128 = arith.index_cast %mul3A_114 : i32 to index
        %get3A_129 = tpu.vector_load %get3A_126[%get3A_127, %get3A_128] {strides = array<i32>} : memref<32x1024xf32, #tpu.memory_space<vmem>>, vector<16xf32>,
        %get3A_130 = arith.constant 2 : i32
        %get3A_131 = arith.constant 0 : i32
        %get3A_132 = arith.constant 0 : i32
        %get3A_133 = tpu.memref_slice %arg7[%scan3A_95, %get3A_131, %get3A_132] : memref<2x32x1024xf32, #tpu.memory_space<vmem>> -> memref<1x32x1024xf32, #tpu.memory_space<vmem>>
        %get3A_134 = tpu.memref_squeeze %get3A_133 : memref<1x32x1024xf32, #tpu.memory_space<vmem>> -> memref<32x1024xf32, #tpu.memory_space<vmem>>
        %get3A_135 = arith.index_cast %get3A_130 : i32 to index
        %get3A_136 = arith.index_cast %mul3A_114 : i32 to index
        %get3A_137 = tpu.vector_load %get3A_134[%get3A_135, %get3A_136] {strides = array<i32>} : memref<32x1024xf32, #tpu.memory_space<vmem>>, vector<16xf32>,
        %get3A_138 = arith.constant 3 : i32
        %get3A_139 = arith.constant 0 : i32
        %get3A_140 = arith.constant 0 : i32
        %get3A_141 = tpu.memref_slice %arg7[%scan3A_95, %get3A_139, %get3A_140] : memref<2x32x1024xf32, #tpu.memory_space<vmem>> -> memref<1x32x1024xf32, #tpu.memory_space<vmem>>
        %get3A_142 = tpu.memref_squeeze %get3A_141 : memref<1x32x1024xf32, #tpu.memory_space<vmem>> -> memref<32x1024xf32, #tpu.memory_space<vmem>>
        %get3A_143 = arith.index_cast %get3A_138 : i32 to index
        %get3A_144 = arith.index_cast %mul3A_114 : i32 to index
        %get3A_145 = tpu.vector_load %get3A_142[%get3A_143, %get3A_144] {strides = array<i32>} : memref<32x1024xf32, #tpu.memory_space<vmem>>, vector<16xf32>,
        %get3A_146 = arith.constant 4 : i32
        %get3A_147 = arith.constant 0 : i32
        %get3A_148 = arith.constant 0 : i32
        %get3A_149 = tpu.memref_slice %arg7[%scan3A_95, %get3A_147, %get3A_148] : memref<2x32x1024xf32, #tpu.memory_space<vmem>> -> memref<1x32x1024xf32, #tpu.memory_space<vmem>>
        %get3A_150 = tpu.memref_squeeze %get3A_149 : memref<1x32x1024xf32, #tpu.memory_space<vmem>> -> memref<32x1024xf32, #tpu.memory_space<vmem>>
        %get3A_151 = arith.index_cast %get3A_146 : i32 to index
        %get3A_152 = arith.index_cast %mul3A_114 : i32 to index
        %get3A_153 = tpu.vector_load %get3A_150[%get3A_151, %get3A_152] {strides = array<i32>} : memref<32x1024xf32, #tpu.memory_space<vmem>>, vector<16xf32>,
        %add3A_154 = arith.addf %get3A_121, %get3A_153 : vector<16xf32>
        %get3A_155 = arith.constant 5 : i32
        %get3A_156 = arith.constant 0 : i32
        %get3A_157 = arith.constant 0 : i32
        %get3A_158 = tpu.memref_slice %arg7[%scan3A_95, %get3A_156, %get3A_157] : memref<2x32x1024xf32, #tpu.memory_space<vmem>> -> memref<1x32x1024xf32, #tpu.memory_space<vmem>>
        %get3A_159 = tpu.memref_squeeze %get3A_158 : memref<1x32x1024xf32, #tpu.memory_space<vmem>> -> memref<32x1024xf32, #tpu.memory_space<vmem>>
        %get3A_160 = arith.index_cast %get3A_155 : i32 to index
        %get3A_161 = arith.index_cast %mul3A_114 : i32 to index
        %get3A_162 = tpu.vector_load %get3A_159[%get3A_160, %get3A_161] {strides = array<i32>} : memref<32x1024xf32, #tpu.memory_space<vmem>>, vector<16xf32>,
        %add3A_163 = arith.addf %get3A_129, %get3A_162 : vector<16xf32>
        %get3A_164 = arith.constant 6 : i32
        %get3A_165 = arith.constant 0 : i32
        %get3A_166 = arith.constant 0 : i32
        %get3A_167 = tpu.memref_slice %arg7[%scan3A_95, %get3A_165, %get3A_166] : memref<2x32x1024xf32, #tpu.memory_space<vmem>> -> memref<1x32x1024xf32, #tpu.memory_space<vmem>>
        %get3A_168 = tpu.memref_squeeze %get3A_167 : memref<1x32x1024xf32, #tpu.memory_space<vmem>> -> memref<32x1024xf32, #tpu.memory_space<vmem>>
        %get3A_169 = arith.index_cast %get3A_164 : i32 to index
        %get3A_170 = arith.index_cast %mul3A_114 : i32 to index
        %get3A_171 = tpu.vector_load %get3A_168[%get3A_169, %get3A_170] {strides = array<i32>} : memref<32x1024xf32, #tpu.memory_space<vmem>>, vector<16xf32>,
        %add3A_172 = arith.addf %get3A_137, %get3A_171 : vector<16xf32>
        %get3A_173 = arith.constant 7 : i32
        %get3A_174 = arith.constant 0 : i32
        %get3A_175 = arith.constant 0 : i32
        %get3A_176 = tpu.memref_slice %arg7[%scan3A_95, %get3A_174, %get3A_175] : memref<2x32x1024xf32, #tpu.memory_space<vmem>> -> memref<1x32x1024xf32, #tpu.memory_space<vmem>>
        %get3A_177 = tpu.memref_squeeze %get3A_176 : memref<1x32x1024xf32, #tpu.memory_space<vmem>> -> memref<32x1024xf32, #tpu.memory_space<vmem>>
        %get3A_178 = arith.index_cast %get3A_173 : i32 to index
        %get3A_179 = arith.index_cast %mul3A_114 : i32 to index
        %get3A_180 = tpu.vector_load %get3A_177[%get3A_178, %get3A_179] {strides = array<i32>} : memref<32x1024xf32, #tpu.memory_space<vmem>>, vector<16xf32>,
        %add3A_181 = arith.addf %get3A_145, %get3A_180 : vector<16xf32>
        %get3A_182 = arith.constant 8 : i32
        %get3A_183 = arith.constant 0 : i32
        %get3A_184 = arith.constant 0 : i32
        %get3A_185 = tpu.memref_slice %arg7[%scan3A_95, %get3A_183, %get3A_184] : memref<2x32x1024xf32, #tpu.memory_space<vmem>> -> memref<1x32x1024xf32, #tpu.memory_space<vmem>>
        %get3A_186 = tpu.memref_squeeze %get3A_185 : memref<1x32x1024xf32, #tpu.memory_space<vmem>> -> memref<32x1024xf32, #tpu.memory_space<vmem>>
        %get3A_187 = arith.index_cast %get3A_182 : i32 to index
        %get3A_188 = arith.index_cast %mul3A_114 : i32 to index
        %get3A_189 = tpu.vector_load %get3A_186[%get3A_187, %get3A_188] {strides = array<i32>} : memref<32x1024xf32, #tpu.memory_space<vmem>>, vector<16xf32>,
        %add3A_190 = arith.addf %add3A_154, %get3A_189 : vector<16xf32>
        %get3A_191 = arith.constant 9 : i32
        %get3A_192 = arith.constant 0 : i32
        %get3A_193 = arith.constant 0 : i32
        %get3A_194 = tpu.memref_slice %arg7[%scan3A_95, %get3A_192, %get3A_193] : memref<2x32x1024xf32, #tpu.memory_space<vmem>> -> memref<1x32x1024xf32, #tpu.memory_space<vmem>>
        %get3A_195 = tpu.memref_squeeze %get3A_194 : memref<1x32x1024xf32, #tpu.memory_space<vmem>> -> memref<32x1024xf32, #tpu.memory_space<vmem>>
        %get3A_196 = arith.index_cast %get3A_191 : i32 to index
        %get3A_197 = arith.index_cast %mul3A_114 : i32 to index
        %get3A_198 = tpu.vector_load %get3A_195[%get3A_196, %get3A_197] {strides = array<i32>} : memref<32x1024xf32, #tpu.memory_space<vmem>>, vector<16xf32>,
        %add3A_199 = arith.addf %add3A_163, %get3A_198 : vector<16xf32>
        %get3A_200 = arith.constant 10 : i32
        %get3A_201 = arith.constant 0 : i32
        %get3A_202 = arith.constant 0 : i32
        %get3A_203 = tpu.memref_slice %arg7[%scan3A_95, %get3A_201, %get3A_202] : memref<2x32x1024xf32, #tpu.memory_space<vmem>> -> memref<1x32x1024xf32, #tpu.memory_space<vmem>>
        %get3A_204 = tpu.memref_squeeze %get3A_203 : memref<1x32x1024xf32, #tpu.memory_space<vmem>> -> memref<32x1024xf32, #tpu.memory_space<vmem>>
        %get3A_205 = arith.index_cast %get3A_200 : i32 to index
        %get3A_206 = arith.index_cast %mul3A_114 : i32 to index
        %get3A_207 = tpu.vector_load %get3A_204[%get3A_205, %get3A_206] {strides = array<i32>} : memref<32x1024xf32, #tpu.memory_space<vmem>>, vector<16xf32>,
        %add3A_208 = arith.addf %add3A_172, %get3A_207 : vector<16xf32>
        %get3A_209 = arith.constant 11 : i32
        %get3A_210 = arith.constant 0 : i32
        %get3A_211 = arith.constant 0 : i32
        %get3A_212 = tpu.memref_slice %arg7[%scan3A_95, %get3A_210, %get3A_211] : memref<2x32x1024xf32, #tpu.memory_space<vmem>> -> memref<1x32x1024xf32, #tpu.memory_space<vmem>>
        %get3A_213 = tpu.memref_squeeze %get3A_212 : memref<1x32x1024xf32, #tpu.memory_space<vmem>> -> memref<32x1024xf32, #tpu.memory_space<vmem>>
        %get3A_214 = arith.index_cast %get3A_209 : i32 to index
        %get3A_215 = arith.index_cast %mul3A_114 : i32 to index
        %get3A_216 = tpu.vector_load %get3A_213[%get3A_214, %get3A_215] {strides = array<i32>} : memref<32x1024xf32, #tpu.memory_space<vmem>>, vector<16xf32>,
        %add3A_217 = arith.addf %add3A_181, %get3A_216 : vector<16xf32>
        %get3A_218 = arith.constant 12 : i32
        %get3A_219 = arith.constant 0 : i32
        %get3A_220 = arith.constant 0 : i32
        %get3A_221 = tpu.memref_slice %arg7[%scan3A_95, %get3A_219, %get3A_220] : memref<2x32x1024xf32, #tpu.memory_space<vmem>> -> memref<1x32x1024xf32, #tpu.memory_space<vmem>>
        %get3A_222 = tpu.memref_squeeze %get3A_221 : memref<1x32x1024xf32, #tpu.memory_space<vmem>> -> memref<32x1024xf32, #tpu.memory_space<vmem>>
        %get3A_223 = arith.index_cast %get3A_218 : i32 to index
        %get3A_224 = arith.index_cast %mul3A_114 : i32 to index
        %get3A_225 = tpu.vector_load %get3A_222[%get3A_223, %get3A_224] {strides = array<i32>} : memref<32x1024xf32, #tpu.memory_space<vmem>>, vector<16xf32>,
        %add3A_226 = arith.addf %add3A_190, %get3A_225 : vector<16xf32>
        %get3A_227 = arith.constant 13 : i32
        %get3A_228 = arith.constant 0 : i32
        %get3A_229 = arith.constant 0 : i32
        %get3A_230 = tpu.memref_slice %arg7[%scan3A_95, %get3A_228, %get3A_229] : memref<2x32x1024xf32, #tpu.memory_space<vmem>> -> memref<1x32x1024xf32, #tpu.memory_space<vmem>>
        %get3A_231 = tpu.memref_squeeze %get3A_230 : memref<1x32x1024xf32, #tpu.memory_space<vmem>> -> memref<32x1024xf32, #tpu.memory_space<vmem>>
        %get3A_232 = arith.index_cast %get3A_227 : i32 to index
        %get3A_233 = arith.index_cast %mul3A_114 : i32 to index
        %get3A_234 = tpu.vector_load %get3A_231[%get3A_232, %get3A_233] {strides = array<i32>} : memref<32x1024xf32, #tpu.memory_space<vmem>>, vector<16xf32>,
        %add3A_235 = arith.addf %add3A_199, %get3A_234 : vector<16xf32>
        %get3A_236 = arith.constant 14 : i32
        %get3A_237 = arith.constant 0 : i32
        %get3A_238 = arith.constant 0 : i32
        %get3A_239 = tpu.memref_slice %arg7[%scan3A_95, %get3A_237, %get3A_238] : memref<2x32x1024xf32, #tpu.memory_space<vmem>> -> memref<1x32x1024xf32, #tpu.memory_space<vmem>>
        %get3A_240 = tpu.memref_squeeze %get3A_239 : memref<1x32x1024xf32, #tpu.memory_space<vmem>> -> memref<32x1024xf32, #tpu.memory_space<vmem>>
        %get3A_241 = arith.index_cast %get3A_236 : i32 to index
        %get3A_242 = arith.index_cast %mul3A_114 : i32 to index
        %get3A_243 = tpu.vector_load %get3A_240[%get3A_241, %get3A_242] {strides = array<i32>} : memref<32x1024xf32, #tpu.memory_space<vmem>>, vector<16xf32>,
        %add3A_244 = arith.addf %add3A_208, %get3A_243 : vector<16xf32>
        %get3A_245 = arith.constant 15 : i32
        %get3A_246 = arith.constant 0 : i32
        %get3A_247 = arith.constant 0 : i32
        %get3A_248 = tpu.memref_slice %arg7[%scan3A_95, %get3A_246, %get3A_247] : memref<2x32x1024xf32, #tpu.memory_space<vmem>> -> memref<1x32x1024xf32, #tpu.memory_space<vmem>>
        %get3A_249 = tpu.memref_squeeze %get3A_248 : memref<1x32x1024xf32, #tpu.memory_space<vmem>> -> memref<32x1024xf32, #tpu.memory_space<vmem>>
        %get3A_250 = arith.index_cast %get3A_245 : i32 to index
        %get3A_251 = arith.index_cast %mul3A_114 : i32 to index
        %get3A_252 = tpu.vector_load %get3A_249[%get3A_250, %get3A_251] {strides = array<i32>} : memref<32x1024xf32, #tpu.memory_space<vmem>>, vector<16xf32>,
        %add3A_253 = arith.addf %add3A_217, %get3A_252 : vector<16xf32>
        %get3A_254 = arith.constant 16 : i32
        %get3A_255 = arith.constant 0 : i32
        %get3A_256 = arith.constant 0 : i32
        %get3A_257 = tpu.memref_slice %arg7[%scan3A_95, %get3A_255, %get3A_256] : memref<2x32x1024xf32, #tpu.memory_space<vmem>> -> memref<1x32x1024xf32, #tpu.memory_space<vmem>>
        %get3A_258 = tpu.memref_squeeze %get3A_257 : memref<1x32x1024xf32, #tpu.memory_space<vmem>> -> memref<32x1024xf32, #tpu.memory_space<vmem>>
        %get3A_259 = arith.index_cast %get3A_254 : i32 to index
        %get3A_260 = arith.index_cast %mul3A_114 : i32 to index
        %get3A_261 = tpu.vector_load %get3A_258[%get3A_259, %get3A_260] {strides = array<i32>} : memref<32x1024xf32, #tpu.memory_space<vmem>>, vector<16xf32>,
        %add3A_262 = arith.addf %add3A_226, %get3A_261 : vector<16xf32>
        %get3A_263 = arith.constant 17 : i32
        %get3A_264 = arith.constant 0 : i32
        %get3A_265 = arith.constant 0 : i32
        %get3A_266 = tpu.memref_slice %arg7[%scan3A_95, %get3A_264, %get3A_265] : memref<2x32x1024xf32, #tpu.memory_space<vmem>> -> memref<1x32x1024xf32, #tpu.memory_space<vmem>>
        %get3A_267 = tpu.memref_squeeze %get3A_266 : memref<1x32x1024xf32, #tpu.memory_space<vmem>> -> memref<32x1024xf32, #tpu.memory_space<vmem>>
        %get3A_268 = arith.index_cast %get3A_263 : i32 to index
        %get3A_269 = arith.index_cast %mul3A_114 : i32 to index
        %get3A_270 = tpu.vector_load %get3A_267[%get3A_268, %get3A_269] {strides = array<i32>} : memref<32x1024xf32, #tpu.memory_space<vmem>>, vector<16xf32>,
        %add3A_271 = arith.addf %add3A_235, %get3A_270 : vector<16xf32>
        %get3A_272 = arith.constant 18 : i32
        %get3A_273 = arith.constant 0 : i32
        %get3A_274 = arith.constant 0 : i32
        %get3A_275 = tpu.memref_slice %arg7[%scan3A_95, %get3A_273, %get3A_274] : memref<2x32x1024xf32, #tpu.memory_space<vmem>> -> memref<1x32x1024xf32, #tpu.memory_space<vmem>>
        %get3A_276 = tpu.memref_squeeze %get3A_275 : memref<1x32x1024xf32, #tpu.memory_space<vmem>> -> memref<32x1024xf32, #tpu.memory_space<vmem>>
        %get3A_277 = arith.index_cast %get3A_272 : i32 to index
        %get3A_278 = arith.index_cast %mul3A_114 : i32 to index
        %get3A_279 = tpu.vector_load %get3A_276[%get3A_277, %get3A_278] {strides = array<i32>} : memref<32x1024xf32, #tpu.memory_space<vmem>>, vector<16xf32>,
        %add3A_280 = arith.addf %add3A_244, %get3A_279 : vector<16xf32>
        %get3A_281 = arith.constant 19 : i32
        %get3A_282 = arith.constant 0 : i32
        %get3A_283 = arith.constant 0 : i32
        %get3A_284 = tpu.memref_slice %arg7[%scan3A_95, %get3A_282, %get3A_283] : memref<2x32x1024xf32, #tpu.memory_space<vmem>> -> memref<1x32x1024xf32, #tpu.memory_space<vmem>>
        %get3A_285 = tpu.memref_squeeze %get3A_284 : memref<1x32x1024xf32, #tpu.memory_space<vmem>> -> memref<32x1024xf32, #tpu.memory_space<vmem>>
        %get3A_286 = arith.index_cast %get3A_281 : i32 to index
        %get3A_287 = arith.index_cast %mul3A_114 : i32 to index
        %get3A_288 = tpu.vector_load %get3A_285[%get3A_286, %get3A_287] {strides = array<i32>} : memref<32x1024xf32, #tpu.memory_space<vmem>>, vector<16xf32>,
        %add3A_289 = arith.addf %add3A_253, %get3A_288 : vector<16xf32>
        %get3A_290 = arith.constant 20 : i32
        %get3A_291 = arith.constant 0 : i32
        %get3A_292 = arith.constant 0 : i32
        %get3A_293 = tpu.memref_slice %arg7[%scan3A_95, %get3A_291, %get3A_292] : memref<2x32x1024xf32, #tpu.memory_space<vmem>> -> memref<1x32x1024xf32, #tpu.memory_space<vmem>>
        %get3A_294 = tpu.memref_squeeze %get3A_293 : memref<1x32x1024xf32, #tpu.memory_space<vmem>> -> memref<32x1024xf32, #tpu.memory_space<vmem>>
        %get3A_295 = arith.index_cast %get3A_290 : i32 to index
        %get3A_296 = arith.index_cast %mul3A_114 : i32 to index
        %get3A_297 = tpu.vector_load %get3A_294[%get3A_295, %get3A_296] {strides = array<i32>} : memref<32x1024xf32, #tpu.memory_space<vmem>>, vector<16xf32>,
        %add3A_298 = arith.addf %add3A_262, %get3A_297 : vector<16xf32>
        %get3A_299 = arith.constant 21 : i32
        %get3A_300 = arith.constant 0 : i32
        %get3A_301 = arith.constant 0 : i32
        %get3A_302 = tpu.memref_slice %arg7[%scan3A_95, %get3A_300, %get3A_301] : memref<2x32x1024xf32, #tpu.memory_space<vmem>> -> memref<1x32x1024xf32, #tpu.memory_space<vmem>>
        %get3A_303 = tpu.memref_squeeze %get3A_302 : memref<1x32x1024xf32, #tpu.memory_space<vmem>> -> memref<32x1024xf32, #tpu.memory_space<vmem>>
        %get3A_304 = arith.index_cast %get3A_299 : i32 to index
        %get3A_305 = arith.index_cast %mul3A_114 : i32 to index
        %get3A_306 = tpu.vector_load %get3A_303[%get3A_304, %get3A_305] {strides = array<i32>} : memref<32x1024xf32, #tpu.memory_space<vmem>>, vector<16xf32>,
        %add3A_307 = arith.addf %add3A_271, %get3A_306 : vector<16xf32>
        %get3A_308 = arith.constant 22 : i32
        %get3A_309 = arith.constant 0 : i32
        %get3A_310 = arith.constant 0 : i32
        %get3A_311 = tpu.memref_slice %arg7[%scan3A_95, %get3A_309, %get3A_310] : memref<2x32x1024xf32, #tpu.memory_space<vmem>> -> memref<1x32x1024xf32, #tpu.memory_space<vmem>>
        %get3A_312 = tpu.memref_squeeze %get3A_311 : memref<1x32x1024xf32, #tpu.memory_space<vmem>> -> memref<32x1024xf32, #tpu.memory_space<vmem>>
        %get3A_313 = arith.index_cast %get3A_308 : i32 to index
        %get3A_314 = arith.index_cast %mul3A_114 : i32 to index
        %get3A_315 = tpu.vector_load %get3A_312[%get3A_313, %get3A_314] {strides = array<i32>} : memref<32x1024xf32, #tpu.memory_space<vmem>>, vector<16xf32>,
        %add3A_316 = arith.addf %add3A_280, %get3A_315 : vector<16xf32>
        %get3A_317 = arith.constant 23 : i32
        %get3A_318 = arith.constant 0 : i32
        %get3A_319 = arith.constant 0 : i32
        %get3A_320 = tpu.memref_slice %arg7[%scan3A_95, %get3A_318, %get3A_319] : memref<2x32x1024xf32, #tpu.memory_space<vmem>> -> memref<1x32x1024xf32, #tpu.memory_space<vmem>>
        %get3A_321 = tpu.memref_squeeze %get3A_320 : memref<1x32x1024xf32, #tpu.memory_space<vmem>> -> memref<32x1024xf32, #tpu.memory_space<vmem>>
        %get3A_322 = arith.index_cast %get3A_317 : i32 to index
        %get3A_323 = arith.index_cast %mul3A_114 : i32 to index
        %get3A_324 = tpu.vector_load %get3A_321[%get3A_322, %get3A_323] {strides = array<i32>} : memref<32x1024xf32, #tpu.memory_space<vmem>>, vector<16xf32>,
        %add3A_325 = arith.addf %add3A_289, %get3A_324 : vector<16xf32>
        %get3A_326 = arith.constant 24 : i32
        %get3A_327 = arith.constant 0 : i32
        %get3A_328 = arith.constant 0 : i32
        %get3A_329 = tpu.memref_slice %arg7[%scan3A_95, %get3A_327, %get3A_328] : memref<2x32x1024xf32, #tpu.memory_space<vmem>> -> memref<1x32x1024xf32, #tpu.memory_space<vmem>>
        %get3A_330 = tpu.memref_squeeze %get3A_329 : memref<1x32x1024xf32, #tpu.memory_space<vmem>> -> memref<32x1024xf32, #tpu.memory_space<vmem>>
        %get3A_331 = arith.index_cast %get3A_326 : i32 to index
        %get3A_332 = arith.index_cast %mul3A_114 : i32 to index
        %get3A_333 = tpu.vector_load %get3A_330[%get3A_331, %get3A_332] {strides = array<i32>} : memref<32x1024xf32, #tpu.memory_space<vmem>>, vector<16xf32>,
        %add3A_334 = arith.addf %add3A_298, %get3A_333 : vector<16xf32>
        %get3A_335 = arith.constant 25 : i32
        %get3A_336 = arith.constant 0 : i32
        %get3A_337 = arith.constant 0 : i32
        %get3A_338 = tpu.memref_slice %arg7[%scan3A_95, %get3A_336, %get3A_337] : memref<2x32x1024xf32, #tpu.memory_space<vmem>> -> memref<1x32x1024xf32, #tpu.memory_space<vmem>>
        %get3A_339 = tpu.memref_squeeze %get3A_338 : memref<1x32x1024xf32, #tpu.memory_space<vmem>> -> memref<32x1024xf32, #tpu.memory_space<vmem>>
        %get3A_340 = arith.index_cast %get3A_335 : i32 to index
        %get3A_341 = arith.index_cast %mul3A_114 : i32 to index
        %get3A_342 = tpu.vector_load %get3A_339[%get3A_340, %get3A_341] {strides = array<i32>} : memref<32x1024xf32, #tpu.memory_space<vmem>>, vector<16xf32>,
        %add3A_343 = arith.addf %add3A_307, %get3A_342 : vector<16xf32>
        %get3A_344 = arith.constant 26 : i32
        %get3A_345 = arith.constant 0 : i32
        %get3A_346 = arith.constant 0 : i32
        %get3A_347 = tpu.memref_slice %arg7[%scan3A_95, %get3A_345, %get3A_346] : memref<2x32x1024xf32, #tpu.memory_space<vmem>> -> memref<1x32x1024xf32, #tpu.memory_space<vmem>>
        %get3A_348 = tpu.memref_squeeze %get3A_347 : memref<1x32x1024xf32, #tpu.memory_space<vmem>> -> memref<32x1024xf32, #tpu.memory_space<vmem>>
        %get3A_349 = arith.index_cast %get3A_344 : i32 to index
        %get3A_350 = arith.index_cast %mul3A_114 : i32 to index
        %get3A_351 = tpu.vector_load %get3A_348[%get3A_349, %get3A_350] {strides = array<i32>} : memref<32x1024xf32, #tpu.memory_space<vmem>>, vector<16xf32>,
        %add3A_352 = arith.addf %add3A_316, %get3A_351 : vector<16xf32>
        %get3A_353 = arith.constant 27 : i32
        %get3A_354 = arith.constant 0 : i32
        %get3A_355 = arith.constant 0 : i32
        %get3A_356 = tpu.memref_slice %arg7[%scan3A_95, %get3A_354, %get3A_355] : memref<2x32x1024xf32, #tpu.memory_space<vmem>> -> memref<1x32x1024xf32, #tpu.memory_space<vmem>>
        %get3A_357 = tpu.memref_squeeze %get3A_356 : memref<1x32x1024xf32, #tpu.memory_space<vmem>> -> memref<32x1024xf32, #tpu.memory_space<vmem>>
        %get3A_358 = arith.index_cast %get3A_353 : i32 to index
        %get3A_359 = arith.index_cast %mul3A_114 : i32 to index
        %get3A_360 = tpu.vector_load %get3A_357[%get3A_358, %get3A_359] {strides = array<i32>} : memref<32x1024xf32, #tpu.memory_space<vmem>>, vector<16xf32>,
        %add3A_361 = arith.addf %add3A_325, %get3A_360 : vector<16xf32>
        %get3A_362 = arith.constant 28 : i32
        %get3A_363 = arith.constant 0 : i32
        %get3A_364 = arith.constant 0 : i32
        %get3A_365 = tpu.memref_slice %arg7[%scan3A_95, %get3A_363, %get3A_364] : memref<2x32x1024xf32, #tpu.memory_space<vmem>> -> memref<1x32x1024xf32, #tpu.memory_space<vmem>>
        %get3A_366 = tpu.memref_squeeze %get3A_365 : memref<1x32x1024xf32, #tpu.memory_space<vmem>> -> memref<32x1024xf32, #tpu.memory_space<vmem>>
        %get3A_367 = arith.index_cast %get3A_362 : i32 to index
        %get3A_368 = arith.index_cast %mul3A_114 : i32 to index
        %get3A_369 = tpu.vector_load %get3A_366[%get3A_367, %get3A_368] {strides = array<i32>} : memref<32x1024xf32, #tpu.memory_space<vmem>>, vector<16xf32>,
        %add3A_370 = arith.addf %add3A_334, %get3A_369 : vector<16xf32>
        %get3A_371 = arith.constant 29 : i32
        %get3A_372 = arith.constant 0 : i32
        %get3A_373 = arith.constant 0 : i32
        %get3A_374 = tpu.memref_slice %arg7[%scan3A_95, %get3A_372, %get3A_373] : memref<2x32x1024xf32, #tpu.memory_space<vmem>> -> memref<1x32x1024xf32, #tpu.memory_space<vmem>>
        %get3A_375 = tpu.memref_squeeze %get3A_374 : memref<1x32x1024xf32, #tpu.memory_space<vmem>> -> memref<32x1024xf32, #tpu.memory_space<vmem>>
        %get3A_376 = arith.index_cast %get3A_371 : i32 to index
        %get3A_377 = arith.index_cast %mul3A_114 : i32 to index
        %get3A_378 = tpu.vector_load %get3A_375[%get3A_376, %get3A_377] {strides = array<i32>} : memref<32x1024xf32, #tpu.memory_space<vmem>>, vector<16xf32>,
        %add3A_379 = arith.addf %add3A_343, %get3A_378 : vector<16xf32>
        %get3A_380 = arith.constant 30 : i32
        %get3A_381 = arith.constant 0 : i32
        %get3A_382 = arith.constant 0 : i32
        %get3A_383 = tpu.memref_slice %arg7[%scan3A_95, %get3A_381, %get3A_382] : memref<2x32x1024xf32, #tpu.memory_space<vmem>> -> memref<1x32x1024xf32, #tpu.memory_space<vmem>>
        %get3A_384 = tpu.memref_squeeze %get3A_383 : memref<1x32x1024xf32, #tpu.memory_space<vmem>> -> memref<32x1024xf32, #tpu.memory_space<vmem>>
        %get3A_385 = arith.index_cast %get3A_380 : i32 to index
        %get3A_386 = arith.index_cast %mul3A_114 : i32 to index
        %get3A_387 = tpu.vector_load %get3A_384[%get3A_385, %get3A_386] {strides = array<i32>} : memref<32x1024xf32, #tpu.memory_space<vmem>>, vector<16xf32>,
        %add3A_388 = arith.addf %add3A_352, %get3A_387 : vector<16xf32>
        %get3A_389 = arith.constant 31 : i32
        %get3A_390 = arith.constant 0 : i32
        %get3A_391 = arith.constant 0 : i32
        %get3A_392 = tpu.memref_slice %arg7[%scan3A_95, %get3A_390, %get3A_391] : memref<2x32x1024xf32, #tpu.memory_space<vmem>> -> memref<1x32x1024xf32, #tpu.memory_space<vmem>>
        %get3A_393 = tpu.memref_squeeze %get3A_392 : memref<1x32x1024xf32, #tpu.memory_space<vmem>> -> memref<32x1024xf32, #tpu.memory_space<vmem>>
        %get3A_394 = arith.index_cast %get3A_389 : i32 to index
        %get3A_395 = arith.index_cast %mul3A_114 : i32 to index
        %get3A_396 = tpu.vector_load %get3A_393[%get3A_394, %get3A_395] {strides = array<i32>} : memref<32x1024xf32, #tpu.memory_space<vmem>>, vector<16xf32>,
        %add3A_397 = arith.addf %add3A_361, %get3A_396 : vector<16xf32>
        %get3A_398 = arith.index_cast %mul3A_114 : i32 to index
        %get3A_399 = tpu.vector_load %arg8[%get3A_398] {strides = array<i32>} : memref<1024xf32, #tpu.memory_space<vmem>>, vector<16xf32>,
        %add3A_400 = arith.addf %add3A_370, %add3A_379 : vector<16xf32>
        %add3A_401 = arith.addf %get3A_399, %add3A_400 : vector<16xf32>
        %add3A_402 = arith.addf %add3A_388, %add3A_397 : vector<16xf32>
        %add3A_403 = arith.addf %add3A_401, %add3A_402 : vector<16xf32>
        %swap3A = arith.index_cast %mul3A_114 : i32 to index
        %swap3A_404 = tpu.vector_load %arg8[%swap3A] {strides = array<i32>} : memref<1024xf32, #tpu.memory_space<vmem>>, vector<16xf32>,
        tpu.vector_store %arg8[%swap3A], %add3A_403 {strides = array<i32>} : memref<1024xf32, #tpu.memory_space<vmem>>, vector<16xf32>,
        %get3A_405 = arith.index_cast %mul3A_114 : i32 to index
        %get3A_406 = tpu.vector_load %arg6[%get3A_405] {strides = array<i32>} : memref<1024xi32, #tpu.memory_space<vmem>>, vector<16xi32>,
        %sub3A = vector.broadcast %add3A_94 : i32 to vector<16xi32>
        %sub3A_407 = arith.subi %get3A_406, %sub3A : vector<16xi32>
        %ge3A = arith.constant 0 : i32
        %ge3A_408 = vector.broadcast %ge3A : i32 to vector<16xi32>
        %ge3A_409 = arith.cmpi sge, %sub3A_407, %ge3A_408 : vector<16xi32>
        %lt3A_410 = arith.constant 32 : i32
        %lt3A_411 = vector.broadcast %lt3A_410 : i32 to vector<16xi32>
        %lt3A_412 = arith.cmpi slt, %sub3A_407, %lt3A_411 : vector<16xi32>
        %and3A = arith.andi %ge3A_409, %lt3A_412 : vector<16xi1>
        %max3A = arith.constant 0 : i32
        %max3A_413 = vector.broadcast %max3A : i32 to vector<16xi32>
        %max3A_414 = arith.maxsi %sub3A_407, %max3A_413 : vector<16xi32>
        %min3A = arith.constant 31 : i32
        %min3A_415 = vector.broadcast %min3A : i32 to vector<16xi32>
        %min3A_416 = arith.minsi %max3A_414, %min3A_415 : vector<16xi32>
        %iota3A = tpu.iota {dimensions = array<i32: 0>} : vector<16xi32>
        %add3A_417 = vector.broadcast %mul3A_114 : i32 to vector<16xi32>
        %add3A_418 = arith.addi %add3A_417, %iota3A : vector<16xi32>
        %gather3A = arith.constant 0 : i32
        %gather3A_419 = arith.constant 0 : i32
        %gather3A_420 = tpu.memref_slice %arg7[%scan3A_95, %gather3A, %gather3A_419] : memref<2x32x1024xf32, #tpu.memory_space<vmem>> -> memref<1x32x1024xf32, #tpu.memory_space<vmem>>
        %gather3A_421 = tpu.memref_squeeze %gather3A_420 : memref<1x32x1024xf32, #tpu.memory_space<vmem>> -> memref<32x1024xf32, #tpu.memory_space<vmem>>
        %gather3A_422 = tpu.vector_load_idx %gather3A_421[%min3A_416, %add3A_418] : memref<32x1024xf32, #tpu.memory_space<vmem>>[vector<16xi32>, vector<16xi32>], vector<16xf32>,
        %broadcast_in_dim3A = arith.constant 0.000000e+00 : f32
        %broadcast_in_dim3A_423 = vector.broadcast %broadcast_in_dim3A : f32 to vector<16xf32>
        %get3A_424 = arith.index_cast %mul3A_114 : i32 to index
        %get3A_425 = tpu.vector_load %arg9[%get3A_424] {strides = array<i32>} : memref<1024xf32, #tpu.memory_space<vmem>>, vector<16xf32>,
        %select_n3A = arith.select %and3A, %gather3A_422, %broadcast_in_dim3A_423 : vector<16xi1>, vector<16xf32>
        %add3A_426 = arith.addf %get3A_425, %select_n3A : vector<16xf32>
        %swap3A_427 = arith.index_cast %mul3A_114 : i32 to index
        %swap3A_428 = tpu.vector_load %arg9[%swap3A_427] {strides = array<i32>} : memref<1024xf32, #tpu.memory_space<vmem>>, vector<16xf32>,
        tpu.vector_store %arg9[%swap3A_427], %add3A_426 {strides = array<i32>} : memref<1024xf32, #tpu.memory_space<vmem>>, vector<16xf32>,
      }
      %scan3A_100 = arith.constant 64 : i32
      %add3A_101 = arith.constant 3 : i32
      %add3A_102 = arith.addi %add3A_47, %add3A_101 : i32
      %lt3A_103 = arith.constant 40 : i32
      %lt3A_104 = arith.cmpi slt, %add3A_102, %lt3A_103 : i32
      %convert_element_type3A_105 = arith.extui %lt3A_104 : i1 to i32
      %cond3A_106 = arith.constant 0 : i32
      %cond3A_107 = arith.cmpi ne, %convert_element_type3A_105, %cond3A_106 : i32
      scf.if %cond3A_107 {
        %add3A_108 = arith.constant 3 : i32
        %add3A_109 = arith.addi %add3A_47, %add3A_108 : i32
        %mul3A_110 = arith.constant 32 : i32
        %mul3A_111 = arith.muli %add3A_109, %mul3A_110 : i32
        %add3A_112 = arith.addi %add3A_4, %mul3A_111 : i32
        %dma_start3A_113 = arith.constant 1 : i32
        %dma_start3A_114 = arith.constant 0 : i32
        %dma_start3A_115 = arith.constant 0 : i32
        %dma_start3A_116 = tpu.memref_slice %arg7[%dma_start3A_113, %dma_start3A_114, %dma_start3A_115] : memref<2x32x1024xf32, #tpu.memory_space<vmem>> -> memref<1x32x1024xf32, #tpu.memory_space<vmem>>
        %dma_start3A_117 = tpu.memref_squeeze %dma_start3A_116 : memref<1x32x1024xf32, #tpu.memory_space<vmem>> -> memref<32x1024xf32, #tpu.memory_space<vmem>>
        %dma_start3A_118 = arith.constant 0 : i32
        %dma_start3A_119 = tpu.memref_slice %arg2[%add3A_112, %dma_start3A_118] : memref<100016x1024xf32, #tpu.memory_space<hbm>> -> memref<32x1024xf32, #tpu.memory_space<hbm>>
        %dma_start3A_120 = arith.constant 0 : i32
        %dma_start3A_121 = arith.constant 0 : i32
        %dma_start3A_122 = tpu.memref_slice %arg7[%dma_start3A_113, %dma_start3A_120, %dma_start3A_121] : memref<2x32x1024xf32, #tpu.memory_space<vmem>> -> memref<1x32x1024xf32, #tpu.memory_space<vmem>>
        %dma_start3A_123 = tpu.memref_squeeze %dma_start3A_122 : memref<1x32x1024xf32, #tpu.memory_space<vmem>> -> memref<32x1024xf32, #tpu.memory_space<vmem>>
        %dma_start3A_124 = arith.constant 0 : i32
        %dma_start3A_125 = tpu.memref_slice %arg2[%add3A_112, %dma_start3A_124] : memref<100016x1024xf32, #tpu.memory_space<hbm>> -> memref<32x1024xf32, #tpu.memory_space<hbm>>
        tpu.enqueue_dma source(%dma_start3A_125 : memref<32x1024xf32, #tpu.memory_space<hbm>>) target(%dma_start3A_123 : memref<32x1024xf32, #tpu.memory_space<vmem>>) target_semaphore(%arg11 : memref<!tpu.dma_semaphore, #tpu.memory_space<semaphore_mem>>)
      } else {
      }
    }
    %scan3A_42 = arith.constant 20 : i32
    "tpu.region"() ({
      %run_scoped3A = tpu.sem_alloc : memref<!tpu.dma_semaphore, #tpu.memory_space<semaphore_mem>>
      %dma_start3A_43 = arith.constant 0 : i32
      %dma_start3A_44 = tpu.memref_slice %arg4[%add3A, %dma_start3A_43] : memref<32x1024xf32, #tpu.memory_space<hbm>> -> memref<1x1024xf32, #tpu.memory_space<hbm>>
      %dma_start3A_45 = tpu.memref_squeeze %dma_start3A_44 : memref<1x1024xf32, #tpu.memory_space<hbm>> -> memref<1024xf32, #tpu.memory_space<hbm>>
      %dma_start3A_46 = arith.constant 0 : i32
      %dma_start3A_47 = tpu.memref_slice %arg4[%add3A, %dma_start3A_46] : memref<32x1024xf32, #tpu.memory_space<hbm>> -> memref<1x1024xf32, #tpu.memory_space<hbm>>
      %dma_start3A_48 = tpu.memref_squeeze %dma_start3A_47 : memref<1x1024xf32, #tpu.memory_space<hbm>> -> memref<1024xf32, #tpu.memory_space<hbm>>
      tpu.enqueue_dma source(%arg8 : memref<1024xf32, #tpu.memory_space<vmem>>) target(%dma_start3A_48 : memref<1024xf32, #tpu.memory_space<hbm>>) target_semaphore(%run_scoped3A : memref<!tpu.dma_semaphore, #tpu.memory_space<semaphore_mem>>)
      %dma_wait3A = arith.constant 0 : i32
      %dma_wait3A_49 = tpu.memref_slice %arg4[%add3A, %dma_wait3A] : memref<32x1024xf32, #tpu.memory_space<hbm>> -> memref<1x1024xf32, #tpu.memory_space<hbm>>
      %dma_wait3A_50 = tpu.memref_squeeze %dma_wait3A_49 : memref<1x1024xf32, #tpu.memory_space<hbm>> -> memref<1024xf32, #tpu.memory_space<hbm>>
      %dma_wait3A_51 = arith.constant 0 : i32
      %dma_wait3A_52 = tpu.memref_slice %arg4[%add3A, %dma_wait3A_51] : memref<32x1024xf32, #tpu.memory_space<hbm>> -> memref<1x1024xf32, #tpu.memory_space<hbm>>
      %dma_wait3A_53 = tpu.memref_squeeze %dma_wait3A_52 : memref<1x1024xf32, #tpu.memory_space<hbm>> -> memref<1024xf32, #tpu.memory_space<hbm>>
      tpu.wait_dma2 semaphore(%run_scoped3A : memref<!tpu.dma_semaphore, #tpu.memory_space<semaphore_mem>>) src(%arg8 : memref<1024xf32, #tpu.memory_space<vmem>>) dst(%dma_wait3A_53 : memref<1024xf32, #tpu.memory_space<hbm>>)
      tpu.yield
    }) : () -> ()
    "tpu.region"() ({
      %run_scoped3A = tpu.sem_alloc : memref<!tpu.dma_semaphore, #tpu.memory_space<semaphore_mem>>
      %dma_start3A_43 = arith.constant 0 : i32
      %dma_start3A_44 = tpu.memref_slice %arg5[%add3A, %dma_start3A_43] : memref<32x1024xf32, #tpu.memory_space<hbm>> -> memref<1x1024xf32, #tpu.memory_space<hbm>>
      %dma_start3A_45 = tpu.memref_squeeze %dma_start3A_44 : memref<1x1024xf32, #tpu.memory_space<hbm>> -> memref<1024xf32, #tpu.memory_space<hbm>>
      %dma_start3A_46 = arith.constant 0 : i32
      %dma_start3A_47 = tpu.memref_slice %arg5[%add3A, %dma_start3A_46] : memref<32x1024xf32, #tpu.memory_space<hbm>> -> memref<1x1024xf32, #tpu.memory_space<hbm>>
      %dma_start3A_48 = tpu.memref_squeeze %dma_start3A_47 : memref<1x1024xf32, #tpu.memory_space<hbm>> -> memref<1024xf32, #tpu.memory_space<hbm>>
      tpu.enqueue_dma source(%arg9 : memref<1024xf32, #tpu.memory_space<vmem>>) target(%dma_start3A_48 : memref<1024xf32, #tpu.memory_space<hbm>>) target_semaphore(%run_scoped3A : memref<!tpu.dma_semaphore, #tpu.memory_space<semaphore_mem>>)
      %dma_wait3A = arith.constant 0 : i32
      %dma_wait3A_49 = tpu.memref_slice %arg5[%add3A, %dma_wait3A] : memref<32x1024xf32, #tpu.memory_space<hbm>> -> memref<1x1024xf32, #tpu.memory_space<hbm>>
      %dma_wait3A_50 = tpu.memref_squeeze %dma_wait3A_49 : memref<1x1024xf32, #tpu.memory_space<hbm>> -> memref<1024xf32, #tpu.memory_space<hbm>>
      %dma_wait3A_51 = arith.constant 0 : i32
      %dma_wait3A_52 = tpu.memref_slice %arg5[%add3A, %dma_wait3A_51] : memref<32x1024xf32, #tpu.memory_space<hbm>> -> memref<1x1024xf32, #tpu.memory_space<hbm>>
      %dma_wait3A_53 = tpu.memref_squeeze %dma_wait3A_52 : memref<1x1024xf32, #tpu.memory_space<hbm>> -> memref<1024xf32, #tpu.memory_space<hbm>>
      tpu.wait_dma2 semaphore(%run_scoped3A : memref<!tpu.dma_semaphore, #tpu.memory_space<semaphore_mem>>) src(%arg9 : memref<1024xf32, #tpu.memory_space<vmem>>) dst(%dma_wait3A_53 : memref<1024xf32, #tpu.memory_space<hbm>>)
      tpu.yield
    }) : () -> ()
    return
  }
}

module attributes {stable_mosaic.version = 14 : i64} {
  func.func @_tc_body(%arg0: i32, %arg1: memref<1x1024xi32, #tpu.memory_space<vmem>>, %arg2: memref<2048x1024xf32, #tpu.memory_space<vmem>>, %arg3: memref<1x1024xf32, #tpu.memory_space<vmem>>, %arg4: memref<1x1024xf32, #tpu.memory_space<vmem>>, %arg5: memref<1x1024xf32, #tpu.memory_space<vmem>>) attributes {dimension_semantics = [#tpu.dimension_semantics<arbitrary>], iteration_bounds = array<i64: 29>, scalar_prefetch = 0 : i64, scratch_operands = 0 : i64, tpu.core_type = #tpu.core_type<tc>, window_params = [{pipeline_mode = #tpu.pipeline_mode<synchronous>, transform_indices = @transform_0, window_bounds = array<i64: 1, 1024>}, {transform_indices = @transform_1, window_bounds = array<i64: 2048, 1024>}, {pipeline_mode = #tpu.pipeline_mode<synchronous>, transform_indices = @transform_2, window_bounds = array<i64: 1, 1024>}, {pipeline_mode = #tpu.pipeline_mode<synchronous>, transform_indices = @transform_3, window_bounds = array<i64: 1, 1024>}, {pipeline_mode = #tpu.pipeline_mode<synchronous>, transform_indices = @transform_4, window_bounds = array<i64: 1, 1024>}]} {
    %eq3A = arith.constant 0 : i32
    %eq3A_0 = arith.cmpi eq, %arg0, %eq3A : i32
    %convert_element_type3A = arith.extui %eq3A_0 : i1 to i32
    %cond3A = arith.constant 0 : i32
    %cond3A_1 = arith.cmpi ne, %convert_element_type3A, %cond3A : i32
    scf.if %cond3A_1 {
      %broadcast_in_dim3A_44 = arith.constant 0.000000e+00 : f32
      %broadcast_in_dim3A_45 = vector.broadcast %broadcast_in_dim3A_44 : f32 to vector<1x1024xf32>
      %swap3A_46 = arith.constant 0 : index
      %swap3A_47 = arith.constant 0 : index
      %swap3A_48 = vector.load %arg3[%swap3A_46, %swap3A_47] : memref<1x1024xf32, #tpu.memory_space<vmem>>, vector<1x1024xf32>
      tpu.vector_store %arg3[%swap3A_46, %swap3A_47], %broadcast_in_dim3A_45 {strides = array<i32>} : memref<1x1024xf32, #tpu.memory_space<vmem>>, vector<1x1024xf32>,
      %broadcast_in_dim3A_49 = arith.constant 0.000000e+00 : f32
      %broadcast_in_dim3A_50 = vector.broadcast %broadcast_in_dim3A_49 : f32 to vector<1x1024xf32>
      %swap3A_51 = arith.constant 0 : index
      %swap3A_52 = arith.constant 0 : index
      %swap3A_53 = vector.load %arg4[%swap3A_51, %swap3A_52] : memref<1x1024xf32, #tpu.memory_space<vmem>>, vector<1x1024xf32>
      tpu.vector_store %arg4[%swap3A_51, %swap3A_52], %broadcast_in_dim3A_50 {strides = array<i32>} : memref<1x1024xf32, #tpu.memory_space<vmem>>, vector<1x1024xf32>,
    } else {
    }
    %get3A = arith.constant 0 : index
    %get3A_2 = arith.constant 0 : index
    %get3A_3 = vector.load %arg2[%get3A, %get3A_2] : memref<2048x1024xf32, #tpu.memory_space<vmem>>, vector<2048x1024xf32>
    %eq3A_4 = arith.constant 0 : i32
    %eq3A_5 = arith.cmpi eq, %arg0, %eq3A_4 : i32
    %sub3A = arith.constant 1 : i32
    %sub3A_6 = arith.subi %arg0, %sub3A : i32
    %mul3A = arith.constant 2048 : i32
    %mul3A_7 = arith.muli %sub3A_6, %mul3A : i32
    %add3A = arith.constant 43008 : i32
    %add3A_8 = arith.addi %add3A, %mul3A_7 : i32
    %jit3A = arith.constant 0 : i32
    %select_n3A = arith.select %eq3A_5, %jit3A, %add3A_8 : i32
    %iota3A = tpu.iota {dimensions = array<i32: 0>} : vector<2048x1024xi32>
    %add3A_9 = vector.broadcast %select_n3A : i32 to vector<2048x1024xi32>
    %add3A_10 = arith.addi %add3A_9, %iota3A : vector<2048x1024xi32>
    %get3A_11 = arith.constant 0 : index
    %get3A_12 = arith.constant 0 : index
    %get3A_13 = vector.load %arg1[%get3A_11, %get3A_12] : memref<1x1024xi32, #tpu.memory_space<vmem>>, vector<1x1024xi32>
    %broadcast_in_dim3A = arith.constant 0.000000e+00 : f32
    %broadcast_in_dim3A_14 = vector.broadcast %broadcast_in_dim3A : f32 to vector<2048x1024xf32>
    %lt3A = arith.constant 100016 : i32
    %lt3A_15 = vector.broadcast %lt3A : i32 to vector<2048x1024xi32>
    %lt3A_16 = arith.cmpi slt, %add3A_10, %lt3A_15 : vector<2048x1024xi32>
    %select_n3A_17 = arith.select %lt3A_16, %get3A_3, %broadcast_in_dim3A_14 : vector<2048x1024xi1>, vector<2048x1024xf32>
    %get3A_18 = arith.constant 0 : index
    %get3A_19 = arith.constant 0 : index
    %get3A_20 = vector.load %arg3[%get3A_18, %get3A_19] : memref<1x1024xf32, #tpu.memory_space<vmem>>, vector<1x1024xf32>
    %reduce_sum3A = arith.constant dense<0.000000e+00> : vector<1024xf32>
    %reduce_sum3A_21 = vector.multi_reduction <add>, %select_n3A_17, %reduce_sum3A [0] : vector<2048x1024xf32> to vector<1024xf32>
    %broadcast_in_dim3A_22 = vector.shape_cast %reduce_sum3A_21 : vector<1024xf32> to vector<1x1024xf32>
    %add3A_23 = arith.addf %get3A_20, %broadcast_in_dim3A_22 : vector<1x1024xf32>
    %swap3A = arith.constant 0 : index
    %swap3A_24 = arith.constant 0 : index
    %swap3A_25 = vector.load %arg3[%swap3A, %swap3A_24] : memref<1x1024xf32, #tpu.memory_space<vmem>>, vector<1x1024xf32>
    tpu.vector_store %arg3[%swap3A, %swap3A_24], %add3A_23 {strides = array<i32>} : memref<1x1024xf32, #tpu.memory_space<vmem>>, vector<1x1024xf32>,
    %get3A_26 = arith.constant 0 : index
    %get3A_27 = arith.constant 0 : index
    %get3A_28 = vector.load %arg4[%get3A_26, %get3A_27] : memref<1x1024xf32, #tpu.memory_space<vmem>>, vector<1x1024xf32>
    %eq3A_29 = vector.broadcast %get3A_13 : vector<1x1024xi32> to vector<2048x1024xi32>
    %eq3A_30 = arith.cmpi eq, %add3A_10, %eq3A_29 : vector<2048x1024xi32>
    %select_n3A_31 = arith.select %eq3A_30, %get3A_3, %broadcast_in_dim3A_14 : vector<2048x1024xi1>, vector<2048x1024xf32>
    %reduce_sum3A_32 = arith.constant dense<0.000000e+00> : vector<1024xf32>
    %reduce_sum3A_33 = vector.multi_reduction <add>, %select_n3A_31, %reduce_sum3A_32 [0] : vector<2048x1024xf32> to vector<1024xf32>
    %broadcast_in_dim3A_34 = vector.shape_cast %reduce_sum3A_33 : vector<1024xf32> to vector<1x1024xf32>
    %add3A_35 = arith.addf %get3A_28, %broadcast_in_dim3A_34 : vector<1x1024xf32>
    %swap3A_36 = arith.constant 0 : index
    %swap3A_37 = arith.constant 0 : index
    %swap3A_38 = vector.load %arg4[%swap3A_36, %swap3A_37] : memref<1x1024xf32, #tpu.memory_space<vmem>>, vector<1x1024xf32>
    tpu.vector_store %arg4[%swap3A_36, %swap3A_37], %add3A_35 {strides = array<i32>} : memref<1x1024xf32, #tpu.memory_space<vmem>>, vector<1x1024xf32>,
    %eq3A_39 = arith.constant 0 : i32
    %eq3A_40 = arith.cmpi eq, %arg0, %eq3A_39 : i32
    %convert_element_type3A_41 = arith.extui %eq3A_40 : i1 to i32
    %cond3A_42 = arith.constant 0 : i32
    %cond3A_43 = arith.cmpi ne, %convert_element_type3A_41, %cond3A_42 : i32
    scf.if %cond3A_43 {
      %slice3A = vector.extract_strided_slice %get3A_3 {offsets = [0, 0], sizes = [1, 1024], strides = [1, 1]} : vector<2048x1024xf32> to vector<1x1024xf32>
      %swap3A_44 = arith.constant 0 : index
      %swap3A_45 = arith.constant 0 : index
      %swap3A_46 = vector.load %arg5[%swap3A_44, %swap3A_45] : memref<1x1024xf32, #tpu.memory_space<vmem>>, vector<1x1024xf32>
      tpu.vector_store %arg5[%swap3A_44, %swap3A_45], %slice3A {strides = array<i32>} : memref<1x1024xf32, #tpu.memory_space<vmem>>, vector<1x1024xf32>,
    } else {
    }
    return
  }
  func.func @transform_0(%arg0: i32) -> (i32, i32) {
    %c0_i32 = arith.constant 0 : i32
    %c0_i32_0 = arith.constant 0 : i32
    %c0_i32_1 = arith.constant 0 : i32
    return %c0_i32, %c0_i32_0 : i32, i32
  }
  func.func @transform_1(%arg0: i32) -> (i32, i32) {
    %eq3A = arith.constant 0 : i32
    %eq3A_0 = arith.cmpi eq, %arg0, %eq3A : i32
    %add3A = arith.constant 21 : i32
    %add3A_1 = arith.addi %add3A, %arg0 : i32
    %sub3A = arith.constant 1 : i32
    %sub3A_2 = arith.subi %add3A_1, %sub3A : i32
    %jit3A = arith.constant 0 : i32
    %select_n3A = arith.select %eq3A_0, %jit3A, %sub3A_2 : i32
    %c0_i32 = arith.constant 0 : i32
    %c0_i32_3 = arith.constant 0 : i32
    return %select_n3A, %c0_i32 : i32, i32
  }
  func.func @transform_2(%arg0: i32) -> (i32, i32) {
    %c0_i32 = arith.constant 0 : i32
    %c0_i32_0 = arith.constant 0 : i32
    %c0_i32_1 = arith.constant 0 : i32
    return %c0_i32, %c0_i32_0 : i32, i32
  }
  func.func @transform_3(%arg0: i32) -> (i32, i32) {
    %c0_i32 = arith.constant 0 : i32
    %c0_i32_0 = arith.constant 0 : i32
    %c0_i32_1 = arith.constant 0 : i32
    return %c0_i32, %c0_i32_0 : i32, i32
  }
  func.func @transform_4(%arg0: i32) -> (i32, i32) {
    %c0_i32 = arith.constant 0 : i32
    %c0_i32_0 = arith.constant 0 : i32
    %c0_i32_1 = arith.constant 0 : i32
    return %c0_i32, %c0_i32_0 : i32, i32
  }
}

module attributes {stable_mosaic.version = 14 : i64} {
  func.func @_combine_body(%arg0: i32, %arg1: memref<1x1024xi32, #tpu.memory_space<vmem>>, %arg2: memref<1x1024xf32, #tpu.memory_space<vmem>>, %arg3: memref<1x1024xf32, #tpu.memory_space<vmem>>, %arg4: memref<1x1024xf32, #tpu.memory_space<vmem>>, %arg5: memref<32x1024xf32, #tpu.memory_space<vmem>>, %arg6: memref<32x1024xf32, #tpu.memory_space<vmem>>, %arg7: memref<1x1xf32, #tpu.memory_space<vmem>>) attributes {dimension_semantics = [#tpu.dimension_semantics<arbitrary>], iteration_bounds = array<i64: 1>, scalar_prefetch = 0 : i64, scratch_operands = 0 : i64, tpu.core_type = #tpu.core_type<tc>, window_params = [{pipeline_mode = #tpu.pipeline_mode<synchronous>, transform_indices = @transform_0, window_bounds = array<i64: 1, 1024>}, {pipeline_mode = #tpu.pipeline_mode<synchronous>, transform_indices = @transform_1, window_bounds = array<i64: 1, 1024>}, {pipeline_mode = #tpu.pipeline_mode<synchronous>, transform_indices = @transform_2, window_bounds = array<i64: 1, 1024>}, {pipeline_mode = #tpu.pipeline_mode<synchronous>, transform_indices = @transform_3, window_bounds = array<i64: 1, 1024>}, {pipeline_mode = #tpu.pipeline_mode<synchronous>, transform_indices = @transform_4, window_bounds = array<i64: 32, 1024>}, {pipeline_mode = #tpu.pipeline_mode<synchronous>, transform_indices = @transform_5, window_bounds = array<i64: 32, 1024>}, {pipeline_mode = #tpu.pipeline_mode<synchronous>, transform_indices = @transform_6, window_bounds = array<i64: 1, 1>}]} {
    %get3A = arith.constant 0 : index
    %get3A_0 = arith.constant 0 : index
    %get3A_1 = vector.load %arg1[%get3A, %get3A_0] : memref<1x1024xi32, #tpu.memory_space<vmem>>, vector<1x1024xi32>
    %get3A_2 = arith.constant 0 : index
    %get3A_3 = arith.constant 0 : index
    %get3A_4 = vector.load %arg2[%get3A_2, %get3A_3] : memref<1x1024xf32, #tpu.memory_space<vmem>>, vector<1x1024xf32>
    %get3A_5 = arith.constant 0 : index
    %get3A_6 = arith.constant 0 : index
    %get3A_7 = vector.load %arg5[%get3A_5, %get3A_6] : memref<32x1024xf32, #tpu.memory_space<vmem>>, vector<32x1024xf32>
    %reduce_sum3A = arith.constant dense<0.000000e+00> : vector<1024xf32>
    %reduce_sum3A_8 = vector.multi_reduction <add>, %get3A_7, %reduce_sum3A [0] : vector<32x1024xf32> to vector<1024xf32>
    %broadcast_in_dim3A = vector.shape_cast %reduce_sum3A_8 : vector<1024xf32> to vector<1x1024xf32>
    %add3A = arith.addf %get3A_4, %broadcast_in_dim3A : vector<1x1024xf32>
    %get3A_9 = arith.constant 0 : index
    %get3A_10 = arith.constant 0 : index
    %get3A_11 = vector.load %arg3[%get3A_9, %get3A_10] : memref<1x1024xf32, #tpu.memory_space<vmem>>, vector<1x1024xf32>
    %get3A_12 = arith.constant 0 : index
    %get3A_13 = arith.constant 0 : index
    %get3A_14 = vector.load %arg6[%get3A_12, %get3A_13] : memref<32x1024xf32, #tpu.memory_space<vmem>>, vector<32x1024xf32>
    %reduce_sum3A_15 = arith.constant dense<0.000000e+00> : vector<1024xf32>
    %reduce_sum3A_16 = vector.multi_reduction <add>, %get3A_14, %reduce_sum3A_15 [0] : vector<32x1024xf32> to vector<1024xf32>
    %broadcast_in_dim3A_17 = vector.shape_cast %reduce_sum3A_16 : vector<1024xf32> to vector<1x1024xf32>
    %add3A_18 = arith.addf %get3A_11, %broadcast_in_dim3A_17 : vector<1x1024xf32>
    %mul3A = arith.constant 9.998600e-07 : f32
    %mul3A_19 = vector.broadcast %mul3A : f32 to vector<1x1024xf32>
    %mul3A_20 = arith.mulf %mul3A_19, %add3A : vector<1x1024xf32>
    %sub3A = arith.constant -1.47638953 : f32
    %sub3A_21 = vector.broadcast %sub3A : f32 to vector<1x1024xf32>
    %sub3A_22 = arith.subf %sub3A_21, %mul3A_20 : vector<1x1024xf32>
    %get3A_23 = arith.constant 0 : index
    %get3A_24 = arith.constant 0 : index
    %get3A_25 = vector.load %arg4[%get3A_23, %get3A_24] : memref<1x1024xf32, #tpu.memory_space<vmem>>, vector<1x1024xf32>
    %mul3A_26 = arith.constant 9.998600e-07 : f32
    %mul3A_27 = vector.broadcast %mul3A_26 : f32 to vector<1x1024xf32>
    %mul3A_28 = arith.mulf %mul3A_27, %get3A_25 : vector<1x1024xf32>
    %add3A_29 = arith.addf %sub3A_22, %mul3A_28 : vector<1x1024xf32>
    %mul3A_30 = arith.constant -8.999990e-01 : f32
    %mul3A_31 = vector.broadcast %mul3A_30 : f32 to vector<1x1024xf32>
    %mul3A_32 = arith.mulf %mul3A_31, %add3A_18 : vector<1x1024xf32>
    %add3A_33 = arith.addf %add3A_29, %mul3A_32 : vector<1x1024xf32>
    %ne3A = arith.constant 0 : i32
    %ne3A_34 = vector.broadcast %ne3A : i32 to vector<1x1024xi32>
    %ne3A_35 = arith.cmpi ne, %get3A_1, %ne3A_34 : vector<1x1024xi32>
    %broadcast_in_dim3A_36 = arith.constant 0.000000e+00 : f32
    %broadcast_in_dim3A_37 = vector.broadcast %broadcast_in_dim3A_36 : f32 to vector<1x1024xf32>
    %select_n3A = arith.select %ne3A_35, %add3A_33, %broadcast_in_dim3A_37 : vector<1x1024xi1>, vector<1x1024xf32>
    %reduce_sum3A_38 = vector.shape_cast %select_n3A : vector<1x1024xf32> to vector<1x1x1024xf32>
    %reduce_sum3A_39 = arith.constant dense<0.000000e+00> : vector<1xf32>
    %reduce_sum3A_40 = vector.multi_reduction <add>, %reduce_sum3A_38, %reduce_sum3A_39 [1, 2] : vector<1x1x1024xf32> to vector<1xf32>
    %reduce_sum3A_41 = vector.shape_cast %reduce_sum3A_40 : vector<1xf32> to vector<1x1x1xf32>
    %reduce_sum3A_42 = vector.extract %reduce_sum3A_41[0, 0, 0] : f32 from vector<1x1x1xf32>
    %reshape3A = vector.broadcast %reduce_sum3A_42 : f32 to vector<1x1xf32>
    %swap3A = arith.constant 0 : index
    %swap3A_43 = arith.constant 0 : index
    %swap3A_44 = vector.load %arg7[%swap3A, %swap3A_43] : memref<1x1xf32, #tpu.memory_space<vmem>>, vector<1x1xf32>
    tpu.vector_store %arg7[%swap3A, %swap3A_43], %reshape3A {strides = array<i32>} : memref<1x1xf32, #tpu.memory_space<vmem>>, vector<1x1xf32>,
    return
  }
  func.func @transform_0(%arg0: i32) -> (i32, i32) {
    %c0_i32 = arith.constant 0 : i32
    %c0_i32_0 = arith.constant 0 : i32
    %c0_i32_1 = arith.constant 0 : i32
    return %c0_i32, %c0_i32_0 : i32, i32
  }
  func.func @transform_1(%arg0: i32) -> (i32, i32) {
    %c0_i32 = arith.constant 0 : i32
    %c0_i32_0 = arith.constant 0 : i32
    %c0_i32_1 = arith.constant 0 : i32
    return %c0_i32, %c0_i32_0 : i32, i32
  }
  func.func @transform_2(%arg0: i32) -> (i32, i32) {
    %c0_i32 = arith.constant 0 : i32
    %c0_i32_0 = arith.constant 0 : i32
    %c0_i32_1 = arith.constant 0 : i32
    return %c0_i32, %c0_i32_0 : i32, i32
  }
  func.func @transform_3(%arg0: i32) -> (i32, i32) {
    %c0_i32 = arith.constant 0 : i32
    %c0_i32_0 = arith.constant 0 : i32
    %c0_i32_1 = arith.constant 0 : i32
    return %c0_i32, %c0_i32_0 : i32, i32
  }
  func.func @transform_4(%arg0: i32) -> (i32, i32) {
    %c0_i32 = arith.constant 0 : i32
    %c0_i32_0 = arith.constant 0 : i32
    %c0_i32_1 = arith.constant 0 : i32
    return %c0_i32, %c0_i32_0 : i32, i32
  }
  func.func @transform_5(%arg0: i32) -> (i32, i32) {
    %c0_i32 = arith.constant 0 : i32
    %c0_i32_0 = arith.constant 0 : i32
    %c0_i32_1 = arith.constant 0 : i32
    return %c0_i32, %c0_i32_0 : i32, i32
  }
  func.func @transform_6(%arg0: i32) -> (i32, i32) {
    %c0_i32 = arith.constant 0 : i32
    %c0_i32_0 = arith.constant 0 : i32
    %c0_i32_1 = arith.constant 0 : i32
    return %c0_i32, %c0_i32_0 : i32, i32
  }
}

</mosaic_0001>

<sc_bundles>
// kernel: kernel.5.cloned.1.call-start
scs
__scs_entry_jumppad:
0x0: {  	(pc) =	sbr.rel $0x88, $3  }
0x1: {  	(tag) =	ssettag $0x0;
	lr =	simm.s32 $0x1  }
0x2: {  	[smem:$0x3F9F] =	sst lr;
	_ =	strace $0xD0000000  }
0x3: {  	_ = 	snop  }
0x4: {  	_ = 	snop  }
0x5: {  	_ = 	snop  }
0x6: {  	_ = 	snop  }
0x7: {  	_ = 	snop  }
__scs_overlays_trampoline_lowered:
0x8: {  	[smem:$0x3FAE] =	sst s0  }
0x9: {  	[smem:$0x3FAF] =	sst s1  }
0xa: {  	[smem:$0x3FB0] =	sst s2  }
0xb: {  	[smem:$0x3FB1] =	sst s3  }
0xc: {  	[smem:$0x3FB2] =	sst s4  }
0xd: {  	[smem:$0x3FB3] =	sst s5  }
0xe: {  	[smem:$0x3FB4] =	sst s6  }
0xf: {  	[smem:$0x3FB5] =	sst s7  }
0x10: {  	[smem:$0x3FB6] =	sst s8  }
0x11: {  	[smem:$0x3FB7] =	sst s9;
	s0 =	simm.s32 @!p0 $0x0  }
0x12: {  	s1 =	sld [smem:$0x3F9D];
	s0 =	simm.s32 @p0 $0x1  }
0x13: {  	[smem:$0x3FB8] =	sst s0;
	s0 =	simm.s32 @!p1 $0x0  }
0x14: {  	s2 =	sld [smem:$0x3F9C];
	s0 =	simm.s32 @p1 $0x1  }
0x15: {  	[smem:$0x3FB9] =	sst s0;
	s0 =	simm.s32 @!p2 $0x0  }
0x16: {  	s3 =	sld [smem:$0x3FDB];
	s0 =	simm.s32 @p2 $0x1  }
0x17: {  	s4 =	simm.s32 $0x1BF5;
	[smem:$0x3FBB] =	sst s0  }
0x18: {  	s0 =	sld [smem:$0x3F9E];
	_ =	swait.ge [sflag:s4], $0x0  }
0x19: {  	s7 =	sld [smem:$0x3F9F]  }
0x1a: {  	s8 =	sadd.s32 $0xFFFFE003, lr  }
0x1b: {  	s9 =	sadd.s32 $0xFFFFFEF7, lr;
	s5 =	simm.s32 $0xFFFFFFFF;
	p2 =	slt.u32 s8, $0xFFFFF086  }
0x1c: {  	p1 =	slt.u32 s9, $0xF7A;
	s5 =	simm.s32 @!p2 $0x0  }
0x1d: {  	s5 =	simm.s32 @p1 $0x1;
	p0 =	seq.s32 s7, s2  }
0x1e: {  	s7 =	smul.u32 @!p0 $0xF7A, s2;
	p2 =	seq.s32 @!p0 s5, $0x0  }
0x1f: {  	s9 =	smul.u32 $0xF7A, s1;
	s8 =	simm.s32 @!p0 $0x1BF5;
	p2 =	por !p2, p0  }
0x20: {  	[sflag:s8] =	ssyncset.s32 @!p0 $0xFFFFF086;
	s6 =	sadd.s32 @!p0 s3, s7;
	s7 =	simm.s32 @!p0 $0x108  }
0x21: {  	s3 =	sadd.s32 s3, s9;
	s6 =	sadd.s32 @!p0 $0x88, s6;
	s7 =	simm.s32 @p2 $0x1082  }
0x22: {  	[simem:s7], [sflag:s8] =	dma.local @!p0 [hbm:s6], $0xF7A  }
0x23: {  	s9 =	sor.u32 $0xD0000000, s2;
	s6 =	simm.s32 $0x108;
	_ =	swait.ge @!p0 [sflag:s8], $0x0  }
0x24: {  	s3 =	sadd.s32 $0x88, s3;
	s6 =	simm.s32 @!p1 $0x1082;
	[sflag:s4] =	ssyncset.s32 $0xFFFFF086  }
0x25: {  	[simem:s6], [sflag:s4] =	dma.local [hbm:s3], $0xF7A  }
0x26: {  	[smem:$0x3F9F] =	sst s1;
	(tag) =	ssettag s2;
	_ =	strace s9  }
0x27: {  	s1 =	sld [smem:$0x3FAF]  }
0x28: {  	s2 =	sld [smem:$0x3FB0]  }
0x29: {  	s4 =	sld [smem:$0x3FB2]  }
0x2a: {  	p0 =	seq.s32 s5, $0x0;
	s5 =	sld [smem:$0x3FB3]  }
0x2b: {  	s6 =	sld [smem:$0x3FB4]  }
0x2c: {  	s7 =	sld [smem:$0x3FB5]  }
0x2d: {  	s3 =	simm.s32 $0x108;
	s8 =	sld [smem:$0x3FB6]  }
0x2e: {  	s3 =	simm.s32 @!p0 $0x1082;
	s9 =	sld [smem:$0x3FB7]  }
0x2f: {  	lr =	sadd.s32 s0, s3;
	s0 =	sld [smem:$0x3FAE]  }
0x30: {  	s3 =	sld [smem:$0x3FB1]  }
0x31: {  	[smem:$0x3FBA] =	sst s10  }
0x32: {  	s10 =	sld [smem:$0x3FB8];
	_ =	sdelay $0x3  }
0x33: {  	p0 =	seq.s32 s10, $0x1;
	s10 =	sld [smem:$0x3FBA];
	_ =	sdelay $0x3  }
0x34: {  	[smem:$0x3FBA] =	sst s10  }
0x35: {  	s10 =	sld [smem:$0x3FB9];
	_ =	sdelay $0x3  }
0x36: {  	p1 =	seq.s32 s10, $0x1;
	s10 =	sld [smem:$0x3FBA];
	_ =	sdelay $0x3  }
0x37: {  	[smem:$0x3FBA] =	sst s10  }
0x38: {  	s10 =	sld [smem:$0x3FBB]  }
0x39: {  	_ = 	snop;
	(pc) =	sbr.ind lr, $3  }
0x3a: {  	_ = 	snop  }
0x3b: {  	_ = 	snop  }
0x3c: {  	p2 =	seq.s32 s10, $0x1;
	s10 =	sld [smem:$0x3FBA]  }
0x3d: {  	_ =	shalt  }
0x3e: {  	_ =	shalt  }
0x3f: {  	_ =	shalt  }
0x40: {  	_ =	shalt  }
0x41: {  	_ =	shalt  }
0x42: {  	_ =	shalt  }
0x43: {  	_ =	shalt  }
0x44: {  	_ =	shalt  }
0x45: {  	_ =	shalt  }
0x46: {  	_ =	shalt  }
0x47: {  	_ =	shalt  }
0x48: {  	_ =	shalt  }
0x49: {  	_ =	shalt  }
0x4a: {  	_ =	shalt  }
0x4b: {  	_ =	shalt  }
0x4c: {  	_ =	shalt  }
0x4d: {  	_ =	shalt  }
0x4e: {  	_ =	shalt  }
0x4f: {  	_ =	shalt  }
0x50: {  	_ =	shalt  }
0x51: {  	_ =	shalt  }
0x52: {  	_ =	shalt  }
0x53: {  	_ =	shalt  }
0x54: {  	_ =	shalt  }
0x55: {  	_ =	shalt  }
0x56: {  	_ =	shalt  }
0x57: {  	_ =	shalt  }
0x58: {  	_ =	shalt  }
0x59: {  	_ =	shalt  }
0x5a: {  	_ =	shalt  }
0x5b: {  	_ =	shalt  }
0x5c: {  	_ =	shalt  }
0x5d: {  	_ =	shalt  }
0x5e: {  	_ =	shalt  }
0x5f: {  	_ =	shalt  }
0x60: {  	_ =	shalt  }
0x61: {  	_ =	shalt  }
0x62: {  	_ =	shalt  }
0x63: {  	_ =	shalt  }
0x64: {  	_ =	shalt  }
0x65: {  	_ =	shalt  }
0x66: {  	_ =	shalt  }
0x67: {  	_ =	shalt  }
0x68: {  	_ =	shalt  }
0x69: {  	_ =	shalt  }
0x6a: {  	_ =	shalt  }
0x6b: {  	_ =	shalt  }
0x6c: {  	_ =	shalt  }
0x6d: {  	_ =	shalt  }
0x6e: {  	_ =	shalt  }
0x6f: {  	_ =	shalt  }
0x70: {  	_ =	shalt  }
0x71: {  	_ =	shalt  }
0x72: {  	_ =	shalt  }
0x73: {  	_ =	shalt  }
0x74: {  	_ =	shalt  }
0x75: {  	_ =	shalt  }
0x76: {  	_ =	shalt  }
0x77: {  	_ =	shalt  }
0x78: {  	_ =	shalt  }
0x79: {  	_ =	shalt  }
0x7a: {  	_ =	shalt  }
0x7b: {  	_ =	shalt  }
0x7c: {  	_ =	shalt  }
0x7d: {  	_ =	shalt  }
0x7e: {  	_ =	shalt  }
0x7f: {  	_ =	shalt  }
0x80: {  	_ =	shalt  }
0x81: {  	_ =	shalt  }
0x82: {  	_ =	shalt  }
0x83: {  	_ =	shalt  }
0x84: {  	_ =	shalt  }
0x85: {  	_ =	shalt  }
0x86: {  	_ =	shalt  }
0x87: {  	_ =	shalt  }
.Lfunc_end0:
.L_simem_size_0:
called_computation_lowered:
.L_overlay_start_0:
0x88: {  	s2 =	sld [smem:$0x3FD9]  }
0x89: {  	s3 =	sld [smem:$0x3FFE];
	_ =	sdelay $0x1  }
0x8a: {  	s1 =	srdreg.scid  }
0x8b: {  	s0 =	sand.u32 $0x1, s1  }
0x8c: {  	s17 =	sshll.u32 s0, $0xA;
	s2 =	sadd.s32 s3, s2  }
0x8d: {  	s2 =	sadd.s32 s2, s17  }
0x8e: {  	[smem:$0x3FC6] =	sst s2  }
0x8f: {  	_ = 	snop  }
0x90: {  	s2 =	sld [smem:$0x3FC9]  }
0x91: {  	s18 =	sld [smem:$0x3FC8];
	(tm) =	ssettm $0x1  }
0x92: {  	s4 =	sld [smem:$0x3FFB];
	_ =	sdelay $0x3  }
0x93: {  	_ =	strace s4  }
0x94: {  	s4 =	sld [smem:$0x3FFC];
	_ =	sdelay $0x3  }
0x95: {  	_ =	strace s4  }
0x96: {  	s4 =	sld [smem:$0x3FFD];
	_ =	sdelay $0x3  }
0x97: {  	_ =	strace s4  }
0x98: {  	_ =	strace $0x8FFFFFFF  }
0x99: {  	s19 =	sld [smem:$0x3FDB];
	_ =	sdelay $0x1  }
0x9a: {  	s5 =	simm.s32 $_scs_section_size  }
0x9b: {  	s6 =	simm.s32 $_size__tile_overlayer_lowered;
	s7 =	simm.s32 $_tile_overlayer_lowered  }
0x9c: {  	s22 =	simm.s32 $0x1BFF;
	s21 =	sshll.u32 s7, $0x1;
	s4 =	sadd.s32 s5, s19  }
0x9d: {  	s8 =	simm.s32 $0x0;
	s20 =	sshll.u32 s6, $0x1;
	s6 =	sadd.s32 s21, s4  }
0x9e: {  	[timem:s8], [sflag:s22] =	dma.local [hbm:s6], s20  }
0x9f: {  	_ =	swait.ge [sflag:s22], s20  }
0xa0: {  	s5 =	ssub.s32 $0x0, s20;
	[sflag:s22] =	ssyncset.done $0x0  }
0xa1: {  	[sflag:s22] =	ssyncadd.s32 s5;
	_ =	sdelay $0x1  }
0xa2: {  	s23 =	simm.s32 $0x1B8B  }
0xa3: {  	_ =	swait.ge [sflag:s23], $0x1  }
0xa4: {  	[sflag:s23] =	ssyncset.done $0x0  }
0xa5: {  	s25 =	simm.s32 $0x1B8E;
	s24 =	sld [smem:$0x3FFE];
	[sflag:s23] =	ssyncadd.s32 $0xFFFFFFFF  }
0xa6: {  	s26 =	simm.s32 $execute0_lowered;
	[smem:$0x3FD2] =	sst s25  }
0xa7: {  	s6 =	sshll.u32 s26, $0x1;
	_ =	strace $0x80000046;
	[dreg:$0x1] =	wrdreg $0xFFFFFFFF  }
0xa8: {  	s28 =	simm.s32 $_size_execute0_lowered;
	s4 =	sadd.s32 s4, s6;
	[dreg:$0x0] =	wrdreg $0x0  }
0xa9: {  	s6 =	sshll.u32 s28, $0x1;
	[dreg:$0x2] =	wrdreg s4  }
0xaa: {  	[dreg:$0x3] =	wrdreg s6  }
0xab: {  	[dreg:$0x4] =	wrdreg $0xC0  }
0xac: {  	_ =	task [dreg:s8], $0x5FFFF  }
0xad: {  	[dreg:$0x1] =	wrdreg $0xFFFFFFFF  }
0xae: {  	[dreg:$0x0] =	wrdreg $0x60  }
0xaf: {  	[dreg:$0x2] =	wrdreg s2  }
0xb0: {  	[dreg:$0x3] =	wrdreg s18  }
0xb1: {  	[dreg:$0x4] =	wrdreg s24  }
0xb2: {  	[dreg:$0x5] =	wrdreg $0x9  }
0xb3: {  	_ =	task.clear_ibuf [dreg:s8], $0x6FFFF;
	_ =	strace $0x90000046  }
0xb4: {  	s29 =	simm.s32 $0x9;
	_ =	strace $0x80000048  }
0xb5: {  	_ =	swait.ge [sflag:s29], $0x1  }
0xb6: {  	[sflag:s29] =	ssyncadd.s32 $0xFFFFFFFF  }
0xb7: {  	_ =	strace $0x90000048  }
0xb8: {  	_ =	sfence  }
0xb9: {  	s30 =	sld [smem:$0x0];
	_ =	sdelay $0x2  }
0xba: {  	s31 =	sshll.u32 s1, $0xD;
	s1 =	sshrl.u32 s1, $0x2  }
0xbb: {  	s3 =	sand.u32 $0x4000, s31;
	s1 =	sadd.s32 s1, s30  }
0xbc: {  	s0 =	sor.u32 s3, s0;
	s1 =	sshll.u32 s1, $0x11  }
0xbd: {  	s0 =	sor.u32 s1, s0  }
0xbe: {  	s0 =	sadd.s32 $0x8F2B, s0  }
0xbf: {  	[sflag:s0] =	ssyncadd.remote.s32 $0x1  }
0xc0: {  	_ =	sfence.sel $0xFFFF  }
0xc1: {  	[dreg:$0x0] =	wrdreg $0xFFFFFFFF;
	(pc) =	sbr.abs _section_cstart, $3  }
0xc2: {  	[dreg:$0x1] =	wrdreg $0xFFFFFFFF  }
0xc3: {  	_ =	task.clear_ibuf [dreg:s8], $0x2FFFF;
	_ =	strace $0x9FFFFFFF  }
0xc4: {  	(tm) =	ssettm $0x7FFFFFFF  }
0xc5: {  	_ =	shalt  }
tec
execute0_lowered:
.L_overlay_start_1:
0x0: {  	(tag) =	ssettag $0x1  }
0x1: {  	s0 =	rddreg [dreg:$0x0];
	s1 =	srdreg.scid  }
0x2: {  	s3 =	stileid.u32;
	s4 =	rddreg [dreg:$0x2];
	s13 =	simm.s32 $0x3  }
0x3: {  	s14 =	simm.s32 $0x400;
	s15 =	simm.s32 $0x8400;
	s16 =	simm.s32 $0x1  }
0x4: {  	s17 =	simm.s32 $0x2;
	s18 =	simm.s32 $0x80;
	s21 =	simm.s32 $0x0  }
0x5: {  	s22 =	simm.s32 $0x0;
	s1 =	sand.u32 $0x1, s1;
	s2 =	sshll.u32 s3, $0x1  }
0x6: {  	s5 =	sshll.u32 s3, $0x8;
	s3 =	simm.s32 $0x0;
	s2 =	sor.u32 s1, s2  }
0x7: {  	[smem:$0x7FF] =	sst s3;
	s1 =	ssub.s32 $0x2, s1;
	s8 =	smul.u32 $0x500, s2  }
0x8: {  	s6 =	sshll.u32 s2, $0x4;
	s2 =	smul.u32 $0x140000, s2;
	s30 =	sshrl.u32 s1, $0x1  }
0x9: {  	_ =	strace $0x80000047;
	s5 =	sor.u32 s5, s6;
	s1 =	ssub.s32 s1, s30  }
.Ltmp0:
0xa: {  	s5 =	sand.u32 $0xC70, s5;
	s2 =	sshrl.u32 s2, $0x3;
	(pc) =	sbr.rel .LBB2_1-.Ltmp0, $4  }
0xb: {  	s12 =	smax.u32 s1, $0x1;
	s11 =	sadd.s32 s5, s4;
	s4 =	sadd.s32 $0x800, s8  }
0xc: {  	s2 =	sadd.s32 s0, s2;
	s8 =	sadd.s32 $0x820, s8;
	s31 =	sshll.u32 s4, $0x7  }
0xd: {  	s6 =	sadd.s32 $0x41000, s2;
	s10 =	sadd.s32 $0x1000, s11;
	s5 =	sadd.s32 s0, s31  }
0xe: {  	v0 =	vimm.f32 $0.0e+00;
	v1 =	vlaneseq.u32;
	s11 =	sadd.s32 $0x2000, s11;
	s7 =	sadd.s32 $0x2000, s5;
	s9 =	sadd.s32 $0x3000, s5  }
.LBB2_10:
0xf: {  	s0 =	simm.s32 $0x10400  }
0x10: {  	[hbm4b:s10+s18] =	stream.strided.scatter [tilespmem:s0], [sflag:$0x3], $0x400, s14, s18, $0x38;
	[tilespmem:$0x10C00] =	vst v63  }
0x11: {  	s21 =	sadd.s32 $0x1, s21;
	_ =	swait.ge [sflag:s13], $0x400  }
0x12: {  	p0 =	sne.s32 s21, s12;
	[sflag:s13] =	ssyncset.done $0x0  }
.Ltmp1:
0x13: {  	s31 =	simm.s32 $0x10800;
	[sflag:s13] =	ssyncadd.s32 $0xFFFFFC00;
	(pc) =	sbr.rel @!p0 .LBB2_11-.Ltmp1, $4  }
0x14: {  	[hbm4b:s11+s18] =	stream.strided.scatter [tilespmem:s31], [sflag:$0x3], $0x400, s14, s18, $0x38;
	[tilespmem:$0x10C00] =	vst v63  }
0x15: {  	_ =	swait.ge [sflag:s13], $0x400  }
0x16: {  	[sflag:s13] =	ssyncset.done $0x0  }
0x17: {  	[sflag:s13] =	ssyncadd.s32 $0xFFFFFC00  }
.LBB2_1:
0x18: {  	s0 =	rddreg [dreg:$0x1]  }
0x19: {  	[tilespmem:s3], [sflag:$0x3] =	stream.linear.gather [hbm4b:s0+s3], $0x400, $0x38;
	[tilespmem:$0x10C00] =	vst v63  }
0x1a: {  	_ =	swait.ge [sflag:s13], $0x400  }
0x1b: {  	[sflag:s13] =	ssyncset.done $0x0  }
0x1c: {  	s1 =	simm.s32 $0x0;
	s0 =	simm.s32 $0x40;
	[sflag:s13] =	ssyncadd.s32 $0xFFFFFC00  }
.LBB2_2:
0x1d: {  	p0 =	sne.s32 s0, $0xFC0;
	[tilespmem:s1+$0x10400] =	vst v0;
	s2 =	smov.u32 s0;
	s0 =	sadd.s32 $0x40, s0  }
.Ltmp2:
0x1e: {  	[tilespmem:s1+$0x10800] =	vst v0;
	(pc) =	sbr.rel @p0 .LBB2_2-.Ltmp2, $2  }
0x1f: {  	_ =	sdelay $0x2  }
0x20: {  	s1 =	sshra.s32 s2, $0x2  }
0x21: {  	[tilespmem:s1+$0x10400] =	vst v0  }
0x22: {  	[tilespmem:s1+$0x10800] =	vst v0  }
0x23: {  	[tilespmem:s14], [sflag:$0x1] =	stream.linear.gather [hbm4b:s5+s22], $0x8000, $0x38;
	[tilespmem:$0x10C00] =	vst v63  }
0x24: {  	s23 =	simm.s32 $0x0  }
0x25: {  	[tilespmem:s15], [sflag:$0x2] =	stream.linear.gather [hbm4b:s6+s22], $0x8000, $0x38;
	[tilespmem:$0x10C00] =	vst v63  }
.LBB2_4:
0x26: {  	_ =	swait.ge [sflag:s16], $0x8000  }
0x27: {  	s0 =	sand.u32 $0x70, s22;
	s1 =	sand.u32 $0x1C00, s22;
	[sflag:s16] =	ssyncset.done $0x0  }
0x28: {  	s28 =	sor.u32 s0, s1;
	[sflag:s16] =	ssyncadd.s32 $0xFFFF8000  }
0x29: {  	v2 =	vld [tilespmem:s28+$0x6580]  }
0x2a: {  	v6 =	vld [tilespmem:s28+$0x2680]  }
0x2b: {  	v5 =	vld [tilespmem:s28+$0x4780]  }
0x2c: {  	v7 =	vld [tilespmem:s28+$0x4580]  }
0x2d: {  	v9 =	vld [tilespmem:s28+$0x2400]  }
0x2e: {  	v11 =	vld [tilespmem:s28+$0x2700]  }
0x2f: {  	v8 =	vld [tilespmem:s28+$0x2780]  }
0x30: {  	v3 =	vld [tilespmem:s28+$0x2580]  }
0x31: {  	v12 =	vld [tilespmem:s28+$0x2480]  }
0x32: {  	v4 =	vld [tilespmem:s28+$0x580]  }
0x33: {  	v10 =	vld [tilespmem:s28+$0x780]  }
0x34: {  	v13 =	vld [tilespmem:s28+$0x2500]  }
0x35: {  	v14 =	vld [tilespmem:s28+$0x700]  }
0x36: {  	v15 =	vld [tilespmem:s28+$0x600]  }
0x37: {  	v16 =	vld [tilespmem:s28+$0x500]  }
0x38: {  	v17 =	vld [tilespmem:s28+$0x680]  }
0x39: {  	v4 =	vadd.f32 v10, v4;
	v10 =	vld [tilespmem:s28+$0x480]  }
0x3a: {  	v18 =	vld [tilespmem:s28+$0x400]  }
0x3b: {  	v62 =	vld [tilespmem:s28+$0x2600];
	v19 =	vadd.f32 v3, v4  }
0x3c: {  	v63 =	vld [tilespmem:s28+$0x4500]  }
0x3d: {  	v3 =	vld [tilespmem:s28+$0x4680];
	v8 =	vadd.f32 v8, v19  }
0x3e: {  	v14 =	vadd.f32 v14, v16;
	v4 =	vld [tilespmem:s28+$0x4600];
	v17 =	vadd.f32 v17, v10  }
0x3f: {  	v15 =	vadd.f32 v15, v18;
	v10 =	vld [tilespmem:s28+$0x4400];
	v7 =	vadd.f32 v7, v8  }
0x40: {  	v13 =	vadd.f32 v13, v14;
	v8 =	vld [tilespmem:s28+$0x4480];
	v12 =	vadd.f32 v12, v17  }
0x41: {  	s24 =	sshll.u32 s23, $0x6;
	s31 =	simm.s32 $0x10400;
	v15 =	vadd.f32 v9, v15;
	v9 =	vld [tilespmem:s28+$0x6400];
	v14 =	vadd.f32 v5, v7  }
0x42: {  	s26 =	simm.s32 $0x10800;
	s2 =	simm.s32 $0x0;
	s19 =	simm.s32 $0x0;
	v11 =	vadd.f32 v11, v13;
	v5 =	vld [tilespmem:s28+$0x6680];
	v13 =	vadd.f32 v6, v12  }
0x43: {  	s29 =	simm.s32 $0x10400;
	s30 =	simm.s32 $0x0;
	s25 =	sadd.s32 s4, s24;
	v7 =	vld [tilespmem:s28+$0x6480];
	v6 =	vadd.f32 v2, v14;
	v14 =	vadd.f32 v62, v15  }
0x44: {  	s1 =	simm.s32 $0x10;
	s0 =	simm.s32 $0x10810;
	v11 =	vadd.f32 v63, v11;
	v12 =	vld [tilespmem:s28+$0x4700];
	v2 =	vmov s25;
	s25 =	simm.s32 $0x0  }
.LBB2_5:
0x45: {  	v10 =	vadd.f32 v10, v14;
	v8 =	vadd.f32 v8, v13;
	v13 =	vld [tilespmem:s28+$0x6600];
	s2 =	sadd.s32 $0x80, s2;
	s31 =	sadd.s32 $0x10, s31;
	s19 =	sadd.s32 $0x10, s19  }
0x46: {  	p0 =	sne.s32 s1, $0x3F0;
	s20 =	smov.u32 s1;
	s1 =	sadd.s32 $0x10, s1;
	v14 =	vld [tilespmem:s28+$0x6500]  }
0x47: {  	v4 =	vadd.f32 v4, v10;
	v3 =	vadd.f32 v3, v8;
	v8 =	vld [tilespmem:s28+$0x6780];
	v10 =	vmov s25  }
0x48: {  	v16 =	vor.u32 s25, v1;
	s25 =	smov.u32 s20;
	v15 =	vld [tilespmem:s28+$0x6700];
	v10 =	vshll.u32 v10, $0x3  }
0x49: {  	v11 =	vadd.f32 v12, v11;
	v4 =	vadd.f32 v9, v4;
	v9 =	vand.u32 $0x1C00, v10  }
0x4a: {  	v3 =	vadd.f32 v7, v3;
	v10 =	vand.u32 $0x7F, v16;
	v7 =	vld [tilespmem:s29+$0x0]  }
0x4b: {  	v9 =	vor.u32 v9, v10;
	v11 =	vadd.f32 v14, v11;
	v4 =	vadd.f32 v13, v4  }
0x4c: {  	v3 =	vadd.f32 v5, v3;
	v5 =	vadd.f32 v8, v6  }
0x4d: {  	v6 =	vadd.f32 v15, v11  }
0x4e: {  	v3 =	vadd.f32 v3, v4  }
0x4f: {  	v4 =	vadd.f32 v5, v6  }
0x50: {  	v3 =	vadd.f32 v7, v3;
	_ =	sdelay $0x1  }
0x51: {  	v3 =	vadd.f32 v4, v3;
	_ =	sdelay $0x1  }
0x52: {  	[tilespmem:s29+$0x0] =	vst v3;
	s29 =	smov.u32 s31  }
0x53: {  	v3 =	vld [tilespmem:s30+$0x0];
	s30 =	smov.u32 s19  }
0x54: {  	s20 =	sand.u32 $0x70, s25;
	s28 =	sand.u32 $0x1C00, s2  }
0x55: {  	s28 =	sor.u32 s20, s28;
	_ =	sdelay $0x2  }
0x56: {  	v3 =	vsub.s32 v3, v2  }
0x57: {  	vm0 =	vgt.s32 v3, $0x0  }
0x58: {  	v4 =	vnsel vm0, $0x0, v3  }
0x59: {  	v4 =	vmin.u32 v4, $0x1F  }
0x5a: {  	v5 =	vshll.u32 v4, $0xA;
	v4 =	vshll.u32 v4, $0x7  }
0x5b: {  	v5 =	vand.u32 $0x6000, v5;
	v4 =	vand.u32 $0x380, v4  }
0x5c: {  	v5 =	vor.u32 v5, v9  }
0x5d: {  	v4 =	vor.u32 v4, v5;
	_ =	sdelay $0x4  }
0x5e: {  	v4 =	vld.idx.msk [tilespmem:v4+s14+$0x0], $0xffff  }
0x5f: {  	v5 =	vld [tilespmem:s26+$0x0];
	_ =	sdelay $0x2  }
0x60: {  	vm0 =	vlt.u32 v3, $0x20;
	_ =	sdelay $0x1  }
0x61: {  	v3 =	vnsel vm0, $0x0, v4  }
0x62: {  	v3 =	vadd.f32 v3, v5;
	_ =	sdelay $0x1  }
0x63: {  	[tilespmem:s26+$0x0] =	vst v3;
	s26 =	smov.u32 s0  }
0x64: {  	v6 =	vld [tilespmem:s28+$0x6580]  }
0x65: {  	v7 =	vld [tilespmem:s28+$0x2680]  }
0x66: {  	v5 =	vld [tilespmem:s28+$0x4780]  }
0x67: {  	v8 =	vld [tilespmem:s28+$0x4580]  }
0x68: {  	v9 =	vld [tilespmem:s28+$0x2400]  }
0x69: {  	v11 =	vld [tilespmem:s28+$0x2700]  }
0x6a: {  	v4 =	vld [tilespmem:s28+$0x2780]  }
0x6b: {  	v3 =	vld [tilespmem:s28+$0x2580]  }
0x6c: {  	v10 =	vld [tilespmem:s28+$0x2480]  }
0x6d: {  	v12 =	vld [tilespmem:s28+$0x580]  }
0x6e: {  	v13 =	vld [tilespmem:s28+$0x780]  }
0x6f: {  	v14 =	vld [tilespmem:s28+$0x2500]  }
0x70: {  	v15 =	vld [tilespmem:s28+$0x700]  }
0x71: {  	v16 =	vld [tilespmem:s28+$0x600]  }
0x72: {  	v17 =	vld [tilespmem:s28+$0x500]  }
0x73: {  	v18 =	vld [tilespmem:s28+$0x680];
	v12 =	vadd.f32 v13, v12  }
0x74: {  	v13 =	vld [tilespmem:s28+$0x480]  }
0x75: {  	v19 =	vld [tilespmem:s28+$0x400];
	v12 =	vadd.f32 v3, v12  }
0x76: {  	v3 =	vld [tilespmem:s28+$0x4680]  }
0x77: {  	v15 =	vadd.f32 v15, v17;
	v12 =	vadd.f32 v4, v12;
	v4 =	vld [tilespmem:s28+$0x4600]  }
0x78: {  	v17 =	vld [tilespmem:s28+$0x2600]  }
0x79: {  	v13 =	vadd.f32 v18, v13;
	v18 =	vld [tilespmem:s28+$0x4500];
	v12 =	vadd.f32 v8, v12  }
0x7a: {  	v14 =	vadd.f32 v14, v15;
	v16 =	vadd.f32 v16, v19;
	v8 =	vld [tilespmem:s28+$0x4480]  }
.Ltmp3:
0x7b: {  	v13 =	vadd.f32 v10, v13;
	v10 =	vld [tilespmem:s28+$0x4400];
	v12 =	vadd.f32 v5, v12;
	(pc) =	sbr.rel @p0 .LBB2_5-.Ltmp3, $4  }
0x7c: {  	v11 =	vadd.f32 v11, v14;
	v9 =	vadd.f32 v9, v16;
	v5 =	vld [tilespmem:s28+$0x6680]  }
0x7d: {  	v13 =	vadd.f32 v7, v13;
	v7 =	vld [tilespmem:s28+$0x6480];
	v6 =	vadd.f32 v6, v12  }
0x7e: {  	v14 =	vadd.f32 v17, v9;
	v11 =	vadd.f32 v18, v11;
	v9 =	vld [tilespmem:s28+$0x6400]  }
0x7f: {  	s0 =	sadd.s32 $0x10, s0;
	v12 =	vld [tilespmem:s28+$0x4700]  }
0x80: {  	_ = 	snop  }
0x81: {  	v10 =	vadd.f32 v10, v14;
	v8 =	vadd.f32 v8, v13;
	v13 =	vld [tilespmem:s28+$0x6500]  }
0x82: {  	v14 =	vld [tilespmem:s28+$0x6600]  }
0x83: {  	v4 =	vadd.f32 v4, v10;
	v3 =	vadd.f32 v3, v8;
	v8 =	vld [tilespmem:s28+$0x6780]  }
0x84: {  	v10 =	vld [tilespmem:s28+$0x6700];
	v11 =	vadd.f32 v12, v11  }
0x85: {  	v4 =	vadd.f32 v9, v4;
	v3 =	vadd.f32 v7, v3  }
0x86: {  	v7 =	vld [tilespmem:s29+$0x0];
	v9 =	vadd.f32 v13, v11  }
0x87: {  	v4 =	vadd.f32 v14, v4;
	v3 =	vadd.f32 v5, v3  }
0x88: {  	v5 =	vadd.f32 v8, v6  }
0x89: {  	v6 =	vadd.f32 v10, v9;
	v3 =	vadd.f32 v3, v4;
	_ =	sdelay $0x1  }
0x8a: {  	v4 =	vadd.f32 v5, v6;
	v3 =	vadd.f32 v7, v3;
	_ =	sdelay $0x1  }
0x8b: {  	v3 =	vadd.f32 v4, v3;
	_ =	sdelay $0x1  }
0x8c: {  	[tilespmem:s29+$0x0] =	vst v3  }
0x8d: {  	v3 =	vld [tilespmem:s30+$0x0];
	_ =	sdelay $0x4  }
0x8e: {  	v2 =	vsub.s32 v3, v2  }
0x8f: {  	vm0 =	vgt.s32 v2, $0x0  }
0x90: {  	v3 =	vmov s25;
	v4 =	vnsel vm0, $0x0, v2  }
0x91: {  	v5 =	vor.u32 s25, v1;
	v3 =	vshll.u32 v3, $0x3;
	v4 =	vmin.u32 v4, $0x1F  }
0x92: {  	v5 =	vand.u32 $0x7F, v5;
	v3 =	vand.u32 $0x1C00, v3;
	v6 =	vshll.u32 v4, $0xA  }
0x93: {  	v3 =	vor.u32 v3, v5;
	v4 =	vshll.u32 v4, $0x7;
	v5 =	vand.u32 $0x6000, v6  }
0x94: {  	v4 =	vand.u32 $0x380, v4;
	v3 =	vor.u32 v5, v3  }
0x95: {  	v3 =	vor.u32 v4, v3;
	_ =	sdelay $0x4  }
0x96: {  	v3 =	vld.idx.msk [tilespmem:v3+s14+$0x0], $0xffff  }
0x97: {  	v4 =	vld [tilespmem:s26+$0x0];
	_ =	sdelay $0x2  }
0x98: {  	vm15 =	vlt.u32 v2, $0x20  }
0x99: {  	v2 =	vnsel vm15, $0x0, v3  }
0x9a: {  	v2 =	vadd.f32 v2, v4  }
0x9b: {  	p0 =	seq.s32 s23, $0x13;
	s25 =	sshll.u32 s23, $0xD  }
0x9c: {  	s1 =	simm.s32 @!p0 $0x0;
	s2 =	simm.s32 @!p0 $0x400;
	s0 =	sadd.s32 @!p0 s25, s7;
	[tilespmem:s26+$0x0] =	vst v2  }
0x9d: {  	[tilespmem:s2], [sflag:$0x1] =	stream.linear.gather @!p0 [hbm4b:s0+s1], $0x8000, $0x38;
	[tilespmem:$0x10C00] =	vst v63  }
0x9e: {  	s26 =	simm.s32 $0x0;
	_ =	swait.ge [sflag:s17], $0x8000  }
0x9f: {  	s19 =	sand.u32 $0x70, s26;
	s20 =	sand.u32 $0x1C00, s26;
	[sflag:s17] =	ssyncset.done $0x0  }
0xa0: {  	s31 =	sor.u32 s19, s20;
	[sflag:s17] =	ssyncadd.s32 $0xFFFF8000  }
0xa1: {  	v2 =	vld [tilespmem:s31+$0xE580]  }
0xa2: {  	v6 =	vld [tilespmem:s31+$0xA680]  }
0xa3: {  	v4 =	vld [tilespmem:s31+$0xC780]  }
0xa4: {  	v7 =	vld [tilespmem:s31+$0xC580]  }
0xa5: {  	v9 =	vld [tilespmem:s31+$0xA400]  }
0xa6: {  	v11 =	vld [tilespmem:s31+$0xA700]  }
0xa7: {  	v8 =	vld [tilespmem:s31+$0xA780]  }
0xa8: {  	v3 =	vld [tilespmem:s31+$0xA580]  }
0xa9: {  	v12 =	vld [tilespmem:s31+$0xA480]  }
0xaa: {  	v5 =	vld [tilespmem:s31+$0x8580]  }
0xab: {  	v10 =	vld [tilespmem:s31+$0x8780]  }
0xac: {  	v13 =	vld [tilespmem:s31+$0xA500]  }
0xad: {  	v14 =	vld [tilespmem:s31+$0x8700]  }
0xae: {  	v15 =	vld [tilespmem:s31+$0x8600]  }
0xaf: {  	v16 =	vld [tilespmem:s31+$0x8500]  }
0xb0: {  	v17 =	vld [tilespmem:s31+$0x8680]  }
0xb1: {  	v5 =	vadd.f32 v10, v5;
	v10 =	vld [tilespmem:s31+$0x8480]  }
0xb2: {  	v18 =	vld [tilespmem:s31+$0x8400]  }
0xb3: {  	v62 =	vld [tilespmem:s31+$0xA600];
	v19 =	vadd.f32 v3, v5  }
0xb4: {  	v63 =	vld [tilespmem:s31+$0xC500]  }
0xb5: {  	v3 =	vld [tilespmem:s31+$0xC680];
	v8 =	vadd.f32 v8, v19  }
0xb6: {  	v14 =	vadd.f32 v14, v16;
	v5 =	vld [tilespmem:s31+$0xC600];
	v17 =	vadd.f32 v17, v10  }
0xb7: {  	v15 =	vadd.f32 v15, v18;
	v10 =	vld [tilespmem:s31+$0xC400];
	v7 =	vadd.f32 v7, v8  }
0xb8: {  	v13 =	vadd.f32 v13, v14;
	v8 =	vld [tilespmem:s31+$0xC480];
	v12 =	vadd.f32 v12, v17  }
0xb9: {  	v15 =	vadd.f32 v9, v15;
	v9 =	vld [tilespmem:s31+$0xE400];
	v14 =	vadd.f32 v4, v7  }
0xba: {  	s28 =	simm.s32 $0x0;
	s29 =	simm.s32 $0x10400;
	s30 =	simm.s32 $0x0;
	v11 =	vadd.f32 v11, v13;
	v4 =	vld [tilespmem:s31+$0xE680];
	v13 =	vadd.f32 v6, v12  }
0xbb: {  	s1 =	simm.s32 $0x10400;
	s0 =	simm.s32 $0x10;
	s20 =	sadd.s32 s24, s8;
	v7 =	vld [tilespmem:s31+$0xE480];
	v6 =	vadd.f32 v2, v14;
	v14 =	vadd.f32 v62, v15  }
0xbc: {  	s2 =	simm.s32 $0x10810;
	s24 =	simm.s32 $0x10800;
	s19 =	simm.s32 $0x0;
	v11 =	vadd.f32 v63, v11;
	v12 =	vld [tilespmem:s31+$0xC700];
	v2 =	vmov s20  }
.LBB2_7:
0xbd: {  	v10 =	vadd.f32 v10, v14;
	v8 =	vadd.f32 v8, v13;
	v13 =	vld [tilespmem:s31+$0xE600];
	s26 =	sadd.s32 $0x80, s26;
	s1 =	sadd.s32 $0x10, s1;
	s19 =	sadd.s32 $0x10, s19  }
0xbe: {  	p1 =	sne.s32 s0, $0x3F0;
	s20 =	smov.u32 s0;
	s0 =	sadd.s32 $0x10, s0;
	v14 =	vld [tilespmem:s31+$0xE500]  }
0xbf: {  	v5 =	vadd.f32 v5, v10;
	v3 =	vadd.f32 v3, v8;
	v8 =	vld [tilespmem:s31+$0xE780];
	v10 =	vmov s28  }
0xc0: {  	v16 =	vor.u32 s28, v1;
	s28 =	smov.u32 s20;
	v15 =	vld [tilespmem:s31+$0xE700];
	v10 =	vshll.u32 v10, $0x3  }
0xc1: {  	v11 =	vadd.f32 v12, v11;
	v5 =	vadd.f32 v9, v5;
	v9 =	vand.u32 $0x1C00, v10  }
0xc2: {  	v3 =	vadd.f32 v7, v3;
	v10 =	vand.u32 $0x7F, v16;
	v7 =	vld [tilespmem:s29+$0x0]  }
0xc3: {  	v9 =	vor.u32 v9, v10;
	v11 =	vadd.f32 v14, v11;
	v5 =	vadd.f32 v13, v5  }
0xc4: {  	v3 =	vadd.f32 v4, v3;
	v4 =	vadd.f32 v8, v6  }
0xc5: {  	v6 =	vadd.f32 v15, v11  }
0xc6: {  	v3 =	vadd.f32 v3, v5  }
0xc7: {  	v4 =	vadd.f32 v4, v6  }
0xc8: {  	v3 =	vadd.f32 v7, v3;
	_ =	sdelay $0x1  }
0xc9: {  	v3 =	vadd.f32 v4, v3;
	_ =	sdelay $0x1  }
0xca: {  	[tilespmem:s29+$0x0] =	vst v3;
	s29 =	smov.u32 s1  }
0xcb: {  	v3 =	vld [tilespmem:s30+$0x0];
	s30 =	smov.u32 s19  }
0xcc: {  	s20 =	sand.u32 $0x70, s28;
	s31 =	sand.u32 $0x1C00, s26  }
0xcd: {  	s31 =	sor.u32 s20, s31;
	_ =	sdelay $0x2  }
0xce: {  	v3 =	vsub.s32 v3, v2  }
0xcf: {  	vm0 =	vgt.s32 v3, $0x0  }
0xd0: {  	v4 =	vnsel vm0, $0x0, v3  }
0xd1: {  	v4 =	vmin.u32 v4, $0x1F  }
0xd2: {  	v5 =	vshll.u32 v4, $0xA;
	v4 =	vshll.u32 v4, $0x7  }
0xd3: {  	v5 =	vand.u32 $0x6000, v5;
	v4 =	vand.u32 $0x380, v4  }
0xd4: {  	v5 =	vor.u32 v5, v9  }
0xd5: {  	v4 =	vor.u32 v4, v5;
	_ =	sdelay $0x4  }
0xd6: {  	v4 =	vld.idx.msk [tilespmem:v4+s15+$0x0], $0xffff  }
0xd7: {  	v5 =	vld [tilespmem:s24+$0x0];
	_ =	sdelay $0x2  }
0xd8: {  	vm0 =	vlt.u32 v3, $0x20;
	_ =	sdelay $0x1  }
0xd9: {  	v3 =	vnsel vm0, $0x0, v4  }
0xda: {  	v3 =	vadd.f32 v3, v5;
	_ =	sdelay $0x1  }
0xdb: {  	[tilespmem:s24+$0x0] =	vst v3;
	s24 =	smov.u32 s2  }
0xdc: {  	v6 =	vld [tilespmem:s31+$0xE580]  }
0xdd: {  	v7 =	vld [tilespmem:s31+$0xA680]  }
0xde: {  	v4 =	vld [tilespmem:s31+$0xC780]  }
0xdf: {  	v8 =	vld [tilespmem:s31+$0xC580]  }
0xe0: {  	v9 =	vld [tilespmem:s31+$0xA400]  }
0xe1: {  	v11 =	vld [tilespmem:s31+$0xA700]  }
0xe2: {  	v5 =	vld [tilespmem:s31+$0xA780]  }
0xe3: {  	v3 =	vld [tilespmem:s31+$0xA580]  }
0xe4: {  	v10 =	vld [tilespmem:s31+$0xA480]  }
0xe5: {  	v12 =	vld [tilespmem:s31+$0x8580]  }
0xe6: {  	v13 =	vld [tilespmem:s31+$0x8780]  }
0xe7: {  	v14 =	vld [tilespmem:s31+$0xA500]  }
0xe8: {  	v15 =	vld [tilespmem:s31+$0x8700]  }
0xe9: {  	v16 =	vld [tilespmem:s31+$0x8600]  }
0xea: {  	v17 =	vld [tilespmem:s31+$0x8500]  }
0xeb: {  	v18 =	vld [tilespmem:s31+$0x8680];
	v12 =	vadd.f32 v13, v12  }
0xec: {  	v13 =	vld [tilespmem:s31+$0x8480]  }
0xed: {  	v19 =	vld [tilespmem:s31+$0x8400];
	v12 =	vadd.f32 v3, v12  }
0xee: {  	v3 =	vld [tilespmem:s31+$0xC680]  }
0xef: {  	v15 =	vadd.f32 v15, v17;
	v12 =	vadd.f32 v5, v12;
	v5 =	vld [tilespmem:s31+$0xC600]  }
0xf0: {  	v17 =	vld [tilespmem:s31+$0xA600]  }
0xf1: {  	v13 =	vadd.f32 v18, v13;
	v18 =	vld [tilespmem:s31+$0xC500];
	v12 =	vadd.f32 v8, v12  }
0xf2: {  	v14 =	vadd.f32 v14, v15;
	v16 =	vadd.f32 v16, v19;
	v8 =	vld [tilespmem:s31+$0xC480]  }
.Ltmp4:
0xf3: {  	v13 =	vadd.f32 v10, v13;
	v10 =	vld [tilespmem:s31+$0xC400];
	v12 =	vadd.f32 v4, v12;
	(pc) =	sbr.rel @p1 .LBB2_7-.Ltmp4, $4  }
0xf4: {  	v11 =	vadd.f32 v11, v14;
	v9 =	vadd.f32 v9, v16;
	v4 =	vld [tilespmem:s31+$0xE680]  }
0xf5: {  	v13 =	vadd.f32 v7, v13;
	v7 =	vld [tilespmem:s31+$0xE480];
	v6 =	vadd.f32 v6, v12  }
0xf6: {  	v14 =	vadd.f32 v17, v9;
	v11 =	vadd.f32 v18, v11;
	v9 =	vld [tilespmem:s31+$0xE400]  }
0xf7: {  	s2 =	sadd.s32 $0x10, s2;
	v12 =	vld [tilespmem:s31+$0xC700]  }
0xf8: {  	_ = 	snop  }
0xf9: {  	v10 =	vadd.f32 v10, v14;
	v8 =	vadd.f32 v8, v13;
	v51 =	vld [tilespmem:s31+$0xE500]  }
0xfa: {  	v52 =	vld [tilespmem:s31+$0xE600]  }
0xfb: {  	v53 =	vld [tilespmem:s31+$0xE780];
	v5 =	vadd.f32 v5, v10;
	v3 =	vadd.f32 v3, v8  }
0xfc: {  	v54 =	vld [tilespmem:s31+$0xE700];
	v11 =	vadd.f32 v12, v11  }
0xfd: {  	v5 =	vadd.f32 v9, v5;
	v3 =	vadd.f32 v7, v3  }
0xfe: {  	v55 =	vld [tilespmem:s29+$0x0];
	v56 =	vadd.f32 v51, v11  }
0xff: {  	v5 =	vadd.f32 v52, v5;
	v3 =	vadd.f32 v4, v3  }
0x100: {  	v57 =	vadd.f32 v53, v6  }
0x101: {  	v58 =	vadd.f32 v54, v56;
	v3 =	vadd.f32 v3, v5;
	_ =	sdelay $0x1  }
0x102: {  	v4 =	vadd.f32 v57, v58;
	v3 =	vadd.f32 v55, v3;
	_ =	sdelay $0x1  }
0x103: {  	v3 =	vadd.f32 v4, v3;
	_ =	sdelay $0x1  }
0x104: {  	[tilespmem:s29+$0x0] =	vst v3  }
0x105: {  	v3 =	vld [tilespmem:s30+$0x0];
	_ =	sdelay $0x4  }
0x106: {  	v2 =	vsub.s32 v3, v2  }
0x107: {  	vm0 =	vgt.s32 v2, $0x0  }
0x108: {  	v3 =	vmov s28;
	v59 =	vnsel vm0, $0x0, v2  }
0x109: {  	v60 =	vor.u32 s28, v1;
	v3 =	vshll.u32 v3, $0x3;
	v4 =	vmin.u32 v59, $0x1F  }
0x10a: {  	v5 =	vand.u32 $0x7F, v60;
	v3 =	vand.u32 $0x1C00, v3;
	v61 =	vshll.u32 v4, $0xA  }
0x10b: {  	v3 =	vor.u32 v3, v5;
	v4 =	vshll.u32 v4, $0x7;
	v62 =	vand.u32 $0x6000, v61  }
0x10c: {  	v4 =	vand.u32 $0x380, v4;
	v3 =	vor.u32 v62, v3  }
0x10d: {  	v3 =	vor.u32 v4, v3;
	_ =	sdelay $0x4  }
0x10e: {  	v3 =	vld.idx.msk [tilespmem:v3+s15+$0x0], $0xffff  }
0x10f: {  	v63 =	vld [tilespmem:s24+$0x0];
	_ =	sdelay $0x2  }
.Ltmp5:
0x110: {  	vm15 =	vlt.u32 v2, $0x20;
	(pc) =	sbr.rel @p0 .LBB2_10-.Ltmp5, $3  }
0x111: {  	v2 =	vnsel vm15, $0x0, v3  }
0x112: {  	v2 =	vadd.f32 v2, v63;
	_ =	sdelay $0x1  }
0x113: {  	[tilespmem:s24+$0x0] =	vst v2  }
.Ltmp6:
0x114: {  	(pc) =	sbr.rel .LBB2_4-.Ltmp6, $3  }
0x115: {  	_ =	sdelay $0x1  }
0x116: {  	s0 =	sadd.s32 s25, s9;
	s23 =	sadd.s32 $0x1, s23  }
0x117: {  	[tilespmem:s15], [sflag:$0x2] =	stream.linear.gather [hbm4b:s0+s3], $0x8000, $0x38;
	[tilespmem:$0x10C00] =	vst v63  }
.LBB2_11:
0x118: {  	_ =	sfence.sel $0x180000  }
0x119: {  	[bflag:$0x0] =	sbarrier.arrive $0xFFFF  }
0x11a: {  	_ =	strace $0x90000047  }
0x11b: {  	s0 =	stileid.u32;
	[bflag:$0x2] =	sbarrier.arrive $0xFFFF  }
0x11c: {  	p0 =	sne.s32 s0, $0x0;
	s0 =	rddreg [dreg:$0x3]  }
0x11d: {  	s0 =	sadd.s32 @!p0 $0x100000, s0  }
0x11e: {  	[sflag:s0] =	ssyncadd.tile.s32 @!p0 $0x1;
	_ =	shalt  }
.Lfunc_end2:
_tile_overlayer_lowered:
.L_overlay_start_2:
0x11f: {  	(tag) =	ssettag $0x2  }
0x120: {  	s0 =	rddreg [dreg:$0x0];
	s2 =	stileid.u32  }
0x121: {  	s1 =	rddreg [dreg:$0x1];
	p0 =	sne.s32 s2, $0x0  }
0x122: {  	s3 =	rddreg [dreg:$0x2];
	[bflag:$0x3] =	sbarrier.arrive $0xFFFF;
	s2 =	simm.s32 @!p0 $0x1C03  }
0x123: {  	[timem:s3], [sflag:s2] =	dma.local @!p0 [hbm:s0], s1  }
0x124: {  	s0 =	simm.s32 @!p0 $0x3  }
0x125: {  	_ =	swait.ge @!p0 [sflag:s0], s1  }
0x126: {  	s1 =	ssub.s32 @!p0 $0x0, s1;
	[sflag:s0] =	ssyncset.done @!p0 $0x0  }
0x127: {  	[sflag:s0] =	ssyncadd.s32 @!p0 s1  }
0x128: {  	[bflag:$0x3] =	sbarrier.arrive $0xFFFF  }
0x129: {  	_ =	shalt  }

</sc_bundles>
